<compile_context>
chip_gen: v7x
topology: tpu7x:2x2x1
jax: 0.10.2.dev20260603
libtpu: 0.0.44.dev20260713+nightly
codegen_flags: <defaults>
</compile_context>

<pallas_src>
import functools

import jax
import jax.numpy as jnp
from jax import lax
from jax.experimental import pallas as pl
from jax.experimental.pallas import tpu as pltpu
from jax.experimental.pallas import tpu_sc as plsc


def _make_sc_kernel(B, K, M, DEG, rows_per_w, chunk, unroll):
    n_chunks = rows_per_w // chunk
    assert n_chunks % 2 == 0 and chunk % unroll == 0
    mesh = plsc.VectorSubcoreMesh(core_axis_name="c", subcore_axis_name="s")

    @functools.partial(
        pl.kernel,
        mesh=mesh,
        out_type=jax.ShapeDtypeStruct((B, M), jnp.int32),
        compiler_params=pltpu.CompilerParams(
            needs_layout_passes=False, use_tc_tiling_on_sc=False
        ),
        scratch_types=[
            pltpu.VMEM((DEG, M), jnp.int32),
            pltpu.VMEM((DEG, M), jnp.int32),
            pltpu.VMEM((chunk * K,), jnp.int32),
            pltpu.VMEM((chunk * K,), jnp.int32),
            pltpu.VMEM((chunk, M), jnp.int32),
            pltpu.VMEM((chunk, M), jnp.int32),
            pltpu.SemaphoreType.DMA,
            pltpu.SemaphoreType.DMA,
            pltpu.SemaphoreType.DMA,
            pltpu.SemaphoreType.DMA,
        ],
    )
    def k(b_hbm, ps_hbm, ms_hbm, out_hbm, ps_v, ms_v,
          in0, in1, o0, o1, si0, si1, so0, so1):
        nc = 2
        wid = lax.axis_index("s") * nc + lax.axis_index("c")
        base = wid * rows_per_w
        pltpu.sync_copy(ps_hbm, ps_v)
        pltpu.sync_copy(ms_hbm, ms_v)
        idx = [ps_v[j] for j in range(DEG)]
        msk = [ms_v[j] for j in range(DEG)]
        in_bufs = (in0, in1)
        out_bufs = (o0, o1)
        in_sems = (si0, si1)
        out_sems = (so0, so1)

        def in_copy(g, b):
            return pltpu.make_async_copy(
                b_hbm.at[pl.ds((base + g * chunk) * K, chunk * K)],
                in_bufs[b], in_sems[b])

        def out_copy(g, b):
            return pltpu.make_async_copy(
                out_bufs[b], out_hbm.at[pl.ds(base + g * chunk, chunk)],
                out_sems[b])

        in_copy(0, 0).start()

        def pair_body(p, carry):
            g0 = p * 2
            for b in range(2):
                g = g0 + b
                nxt = g + 1

                @pl.when(nxt < n_chunks)
                def _():
                    in_copy(nxt, 1 - b).start()

                in_copy(g, b).wait()

                @pl.when(g >= 2)
                def _():
                    out_copy(g - 2, b).wait()

                in_v = in_bufs[b]
                out_v = out_bufs[b]

                def row_body(i, c2):
                    r0 = i * unroll
                    for u in range(unroll):
                        r = r0 + u
                        rb = r * K
                        acc = plsc.load_gather(in_v, [idx[0] + rb]) * msk[0]
                        for j in range(1, DEG):
                            acc = acc + plsc.load_gather(
                                in_v, [idx[j] + rb]) * msk[j]
                        out_v[r] = acc & 1
                    return c2

                lax.fori_loop(0, chunk // unroll, row_body, 0)

                out_copy(g, b).start()
            return carry

        lax.fori_loop(0, n_chunks // 2, pair_body, 0)
        out_copy(n_chunks - 2, 0).wait()
        out_copy(n_chunks - 1, 1).wait()

    return k


def kernel(b_info, Ps, Ms):
    B, K = b_info.shape
    M, DEG = Ps.shape
    n_workers = 32
    rows_per_w = B // n_workers
    chunk = 1024
    k = _make_sc_kernel(B, K, M, DEG, rows_per_w, chunk, unroll=8)
    return k(
        b_info.reshape(-1),
        Ps.T.astype(jnp.int32),
        Ms.T.astype(jnp.int32),
    )

# --- scband reference (transcript-rebuilt; emitter-appended) ---
"""Pipeline reference for scband-parity-bit-30889404792885 (READ-ONLY COPY).

The authoritative reference and input builder live on the scoring server;
editing this copy changes nothing except your own understanding.
"""

import jax, jax.numpy as jnp
import numpy as np


def _build_H():
    m, k = 16, 32
    P = np.zeros((m, k), dtype=int)
    for i in range(m):
        for j in range(k):
            if (i + j) % 4 == 0:
                P[i, j] = 1
    H = np.concatenate([P, np.eye(m, dtype=int)], axis=1)
    return H


def _build_ps_ms(H):
    # Mirrors Parity_Bit.__init__ (gauss_jordan is identity here since H=[P|I])
    m, n = H.shape
    k = n - m
    P = H[:, :k]
    P = P.T  # (k, m)
    max_deg = int(np.max([np.where(P[:, i] != 0)[0].shape[0] for i in range(P.shape[1])]))
    Ps = np.zeros((n - k, max_deg), dtype=np.int32)
    Ms = np.zeros((n - k, max_deg), dtype=np.int32)
    for i in range(n - k):
        u = np.where(P[:, i] != 0)[0]
        Ps[i, :u.shape[0]] = u
        Ms[i, :u.shape[0]] = 1
    return Ps, Ms


def setup_inputs(seed: int = 0) -> dict:
    key = jax.random.key(seed)
    B, k = 262144, 32
    b_info = jax.random.randint(key, (B, k), 0, 2, dtype=jnp.int32)
    H = _build_H()
    Ps, Ms = _build_ps_ms(H)
    return {"b_info": b_info, "Ps": jnp.asarray(Ps, dtype=jnp.int32), "Ms": jnp.asarray(Ms, dtype=jnp.int32)}


def reference(b_info, Ps, Ms):
    # b_r = gather(b_info, Ps, axis=1): [B, m, max_deg]
    b_r = jnp.take(b_info, Ps, axis=1)
    b_r = b_r * Ms[None, :, :]
    b_r = jnp.sum(b_r, axis=2)
    b_r = jnp.mod(b_r, 2)
    return b_r

if __name__ == "__main__":
    import jax
    _d = setup_inputs()
    print(jax.jit(kernel)(*tuple(_d.values())))

</pallas_src>

<mosaic_0001>
#map = affine_map<(d0, d1) -> (0)>
#map1 = affine_map<(d0, d1) -> (0, 0)>
module attributes {stable_mosaic.version = 14 : i64} {
  func.func @k(%arg0: i32, %arg1: i32, %arg2: memref<8388608xi32, #tpu.memory_space<hbm>>, %arg3: memref<8x16xi32, #tpu.memory_space<hbm>>, %arg4: memref<8x16xi32, #tpu.memory_space<hbm>>, %arg5: memref<262144x16xi32, #tpu.memory_space<hbm>>, %arg6: memref<8x16xi32, #tpu.memory_space<vmem>>, %arg7: memref<8x16xi32, #tpu.memory_space<vmem>>, %arg8: memref<32768xi32, #tpu.memory_space<vmem>>, %arg9: memref<32768xi32, #tpu.memory_space<vmem>>, %arg10: memref<1024x16xi32, #tpu.memory_space<vmem>>, %arg11: memref<1024x16xi32, #tpu.memory_space<vmem>>, %arg12: memref<!tpu.dma_semaphore, #tpu.memory_space<semaphore_mem>>, %arg13: memref<!tpu.dma_semaphore, #tpu.memory_space<semaphore_mem>>, %arg14: memref<!tpu.dma_semaphore, #tpu.memory_space<semaphore_mem>>, %arg15: memref<!tpu.dma_semaphore, #tpu.memory_space<semaphore_mem>>) attributes {dimension_semantics = [#tpu.dimension_semantics<core_parallel>, #tpu.dimension_semantics<subcore_parallel>], iteration_bounds = array<i64: 2, 16>, scalar_prefetch = 0 : i64, scratch_operands = 10 : i64, tpu.core_type = #tpu.core_type<sc_vector_subcore>, window_params = [{transform_indices = #map}, {transform_indices = #map1}, {transform_indices = #map1}, {transform_indices = #map1}]} {
    %mul3A = arith.constant 2 : i32
    %mul3A_0 = arith.muli %arg1, %mul3A : i32
    %add3A = arith.addi %mul3A_0, %arg0 : i32
    %mul3A_1 = arith.constant 8192 : i32
    %mul3A_2 = arith.muli %add3A, %mul3A_1 : i32
    "tpu.region"() ({
      %run_scoped3A = tpu.sem_alloc : memref<!tpu.dma_semaphore, #tpu.memory_space<semaphore_mem>>
      tpu.enqueue_dma source(%arg3 : memref<8x16xi32, #tpu.memory_space<hbm>>) target(%arg6 : memref<8x16xi32, #tpu.memory_space<vmem>>) target_semaphore(%run_scoped3A : memref<!tpu.dma_semaphore, #tpu.memory_space<semaphore_mem>>)
      tpu.wait_dma2 semaphore(%run_scoped3A : memref<!tpu.dma_semaphore, #tpu.memory_space<semaphore_mem>>) src(%arg3 : memref<8x16xi32, #tpu.memory_space<hbm>>) dst(%arg6 : memref<8x16xi32, #tpu.memory_space<vmem>>)
      tpu.yield
    }) : () -> ()
    "tpu.region"() ({
      %run_scoped3A = tpu.sem_alloc : memref<!tpu.dma_semaphore, #tpu.memory_space<semaphore_mem>>
      tpu.enqueue_dma source(%arg4 : memref<8x16xi32, #tpu.memory_space<hbm>>) target(%arg7 : memref<8x16xi32, #tpu.memory_space<vmem>>) target_semaphore(%run_scoped3A : memref<!tpu.dma_semaphore, #tpu.memory_space<semaphore_mem>>)
      tpu.wait_dma2 semaphore(%run_scoped3A : memref<!tpu.dma_semaphore, #tpu.memory_space<semaphore_mem>>) src(%arg4 : memref<8x16xi32, #tpu.memory_space<hbm>>) dst(%arg7 : memref<8x16xi32, #tpu.memory_space<vmem>>)
      tpu.yield
    }) : () -> ()
    %get3A = arith.constant 0 : i32
    %get3A_3 = arith.index_cast %get3A : i32 to index
    %get3A_4 = arith.constant 0 : index
    %get3A_5 = tpu.vector_load %arg6[%get3A_3, %get3A_4] {strides = array<i32>} : memref<8x16xi32, #tpu.memory_space<vmem>>, vector<16xi32>,
    %get3A_6 = arith.constant 1 : i32
    %get3A_7 = arith.index_cast %get3A_6 : i32 to index
    %get3A_8 = arith.constant 0 : index
    %get3A_9 = tpu.vector_load %arg6[%get3A_7, %get3A_8] {strides = array<i32>} : memref<8x16xi32, #tpu.memory_space<vmem>>, vector<16xi32>,
    %get3A_10 = arith.constant 2 : i32
    %get3A_11 = arith.index_cast %get3A_10 : i32 to index
    %get3A_12 = arith.constant 0 : index
    %get3A_13 = tpu.vector_load %arg6[%get3A_11, %get3A_12] {strides = array<i32>} : memref<8x16xi32, #tpu.memory_space<vmem>>, vector<16xi32>,
    %get3A_14 = arith.constant 3 : i32
    %get3A_15 = arith.index_cast %get3A_14 : i32 to index
    %get3A_16 = arith.constant 0 : index
    %get3A_17 = tpu.vector_load %arg6[%get3A_15, %get3A_16] {strides = array<i32>} : memref<8x16xi32, #tpu.memory_space<vmem>>, vector<16xi32>,
    %get3A_18 = arith.constant 4 : i32
    %get3A_19 = arith.index_cast %get3A_18 : i32 to index
    %get3A_20 = arith.constant 0 : index
    %get3A_21 = tpu.vector_load %arg6[%get3A_19, %get3A_20] {strides = array<i32>} : memref<8x16xi32, #tpu.memory_space<vmem>>, vector<16xi32>,
    %get3A_22 = arith.constant 5 : i32
    %get3A_23 = arith.index_cast %get3A_22 : i32 to index
    %get3A_24 = arith.constant 0 : index
    %get3A_25 = tpu.vector_load %arg6[%get3A_23, %get3A_24] {strides = array<i32>} : memref<8x16xi32, #tpu.memory_space<vmem>>, vector<16xi32>,
    %get3A_26 = arith.constant 6 : i32
    %get3A_27 = arith.index_cast %get3A_26 : i32 to index
    %get3A_28 = arith.constant 0 : index
    %get3A_29 = tpu.vector_load %arg6[%get3A_27, %get3A_28] {strides = array<i32>} : memref<8x16xi32, #tpu.memory_space<vmem>>, vector<16xi32>,
    %get3A_30 = arith.constant 7 : i32
    %get3A_31 = arith.index_cast %get3A_30 : i32 to index
    %get3A_32 = arith.constant 0 : index
    %get3A_33 = tpu.vector_load %arg6[%get3A_31, %get3A_32] {strides = array<i32>} : memref<8x16xi32, #tpu.memory_space<vmem>>, vector<16xi32>,
    %get3A_34 = arith.constant 0 : i32
    %get3A_35 = arith.index_cast %get3A_34 : i32 to index
    %get3A_36 = arith.constant 0 : index
    %get3A_37 = tpu.vector_load %arg7[%get3A_35, %get3A_36] {strides = array<i32>} : memref<8x16xi32, #tpu.memory_space<vmem>>, vector<16xi32>,
    %get3A_38 = arith.constant 1 : i32
    %get3A_39 = arith.index_cast %get3A_38 : i32 to index
    %get3A_40 = arith.constant 0 : index
    %get3A_41 = tpu.vector_load %arg7[%get3A_39, %get3A_40] {strides = array<i32>} : memref<8x16xi32, #tpu.memory_space<vmem>>, vector<16xi32>,
    %get3A_42 = arith.constant 2 : i32
    %get3A_43 = arith.index_cast %get3A_42 : i32 to index
    %get3A_44 = arith.constant 0 : index
    %get3A_45 = tpu.vector_load %arg7[%get3A_43, %get3A_44] {strides = array<i32>} : memref<8x16xi32, #tpu.memory_space<vmem>>, vector<16xi32>,
    %get3A_46 = arith.constant 3 : i32
    %get3A_47 = arith.index_cast %get3A_46 : i32 to index
    %get3A_48 = arith.constant 0 : index
    %get3A_49 = tpu.vector_load %arg7[%get3A_47, %get3A_48] {strides = array<i32>} : memref<8x16xi32, #tpu.memory_space<vmem>>, vector<16xi32>,
    %get3A_50 = arith.constant 4 : i32
    %get3A_51 = arith.index_cast %get3A_50 : i32 to index
    %get3A_52 = arith.constant 0 : index
    %get3A_53 = tpu.vector_load %arg7[%get3A_51, %get3A_52] {strides = array<i32>} : memref<8x16xi32, #tpu.memory_space<vmem>>, vector<16xi32>,
    %get3A_54 = arith.constant 5 : i32
    %get3A_55 = arith.index_cast %get3A_54 : i32 to index
    %get3A_56 = arith.constant 0 : index
    %get3A_57 = tpu.vector_load %arg7[%get3A_55, %get3A_56] {strides = array<i32>} : memref<8x16xi32, #tpu.memory_space<vmem>>, vector<16xi32>,
    %get3A_58 = arith.constant 6 : i32
    %get3A_59 = arith.index_cast %get3A_58 : i32 to index
    %get3A_60 = arith.constant 0 : index
    %get3A_61 = tpu.vector_load %arg7[%get3A_59, %get3A_60] {strides = array<i32>} : memref<8x16xi32, #tpu.memory_space<vmem>>, vector<16xi32>,
    %get3A_62 = arith.constant 7 : i32
    %get3A_63 = arith.index_cast %get3A_62 : i32 to index
    %get3A_64 = arith.constant 0 : index
    %get3A_65 = tpu.vector_load %arg7[%get3A_63, %get3A_64] {strides = array<i32>} : memref<8x16xi32, #tpu.memory_space<vmem>>, vector<16xi32>,
    %add3A_66 = arith.constant 0 : i32
    %add3A_67 = arith.addi %mul3A_2, %add3A_66 : i32
    %mul3A_68 = arith.constant 32 : i32
    %mul3A_69 = arith.muli %add3A_67, %mul3A_68 : i32
    %dma_start3A = tpu.memref_slice %arg2[%mul3A_69] : memref<8388608xi32, #tpu.memory_space<hbm>> -> memref<32768xi32, #tpu.memory_space<hbm>>
    %dma_start3A_70 = tpu.memref_slice %arg2[%mul3A_69] : memref<8388608xi32, #tpu.memory_space<hbm>> -> memref<32768xi32, #tpu.memory_space<hbm>>
    tpu.enqueue_dma source(%dma_start3A_70 : memref<32768xi32, #tpu.memory_space<hbm>>) target(%arg8 : memref<32768xi32, #tpu.memory_space<vmem>>) target_semaphore(%arg12 : memref<!tpu.dma_semaphore, #tpu.memory_space<semaphore_mem>>)
    %scan3A = arith.constant 0 : i32
    %scan3A_71 = arith.constant 0 : i32
    %scan3A_72 = arith.constant 4 : i32
    %scan3A_73 = arith.addi %scan3A_71, %scan3A_72 : i32
    %scan3A_74 = arith.constant 1 : i32
    scf.for %scan3A_87 = %scan3A_71 to %scan3A_73 step %scan3A_74  : i32 {
      %mul3A_88 = arith.constant 2 : i32
      %mul3A_89 = arith.muli %scan3A_87, %mul3A_88 : i32
      %add3A_90 = arith.constant 0 : i32
      %add3A_91 = arith.addi %mul3A_89, %add3A_90 : i32
      %add3A_92 = arith.constant 1 : i32
      %add3A_93 = arith.addi %add3A_91, %add3A_92 : i32
      %lt3A = arith.constant 8 : i32
      %lt3A_94 = arith.cmpi slt, %add3A_93, %lt3A : i32
      %convert_element_type3A = arith.extui %lt3A_94 : i1 to i32
      %cond3A = arith.constant 0 : i32
      %cond3A_95 = arith.cmpi ne, %convert_element_type3A, %cond3A : i32
      scf.if %cond3A_95 {
        %mul3A_154 = arith.constant 1024 : i32
        %mul3A_155 = arith.muli %add3A_93, %mul3A_154 : i32
        %add3A_156 = arith.addi %mul3A_2, %mul3A_155 : i32
        %mul3A_157 = arith.constant 32 : i32
        %mul3A_158 = arith.muli %add3A_156, %mul3A_157 : i32
        %dma_start3A_159 = tpu.memref_slice %arg2[%mul3A_158] : memref<8388608xi32, #tpu.memory_space<hbm>> -> memref<32768xi32, #tpu.memory_space<hbm>>
        %dma_start3A_160 = tpu.memref_slice %arg2[%mul3A_158] : memref<8388608xi32, #tpu.memory_space<hbm>> -> memref<32768xi32, #tpu.memory_space<hbm>>
        tpu.enqueue_dma source(%dma_start3A_160 : memref<32768xi32, #tpu.memory_space<hbm>>) target(%arg9 : memref<32768xi32, #tpu.memory_space<vmem>>) target_semaphore(%arg13 : memref<!tpu.dma_semaphore, #tpu.memory_space<semaphore_mem>>)
      } else {
      }
      %mul3A_96 = arith.constant 1024 : i32
      %mul3A_97 = arith.muli %add3A_91, %mul3A_96 : i32
      %add3A_98 = arith.addi %mul3A_2, %mul3A_97 : i32
      %mul3A_99 = arith.constant 32 : i32
      %mul3A_100 = arith.muli %add3A_98, %mul3A_99 : i32
      %dma_wait3A_101 = tpu.memref_slice %arg2[%mul3A_100] : memref<8388608xi32, #tpu.memory_space<hbm>> -> memref<32768xi32, #tpu.memory_space<hbm>>
      %dma_wait3A_102 = tpu.memref_slice %arg2[%mul3A_100] : memref<8388608xi32, #tpu.memory_space<hbm>> -> memref<32768xi32, #tpu.memory_space<hbm>>
      tpu.wait_dma2 semaphore(%arg12 : memref<!tpu.dma_semaphore, #tpu.memory_space<semaphore_mem>>) src(%dma_wait3A_102 : memref<32768xi32, #tpu.memory_space<hbm>>) dst(%arg8 : memref<32768xi32, #tpu.memory_space<vmem>>)
      %ge3A = arith.constant 2 : i32
      %ge3A_103 = arith.cmpi sge, %add3A_91, %ge3A : i32
      %convert_element_type3A_104 = arith.extui %ge3A_103 : i1 to i32
      %cond3A_105 = arith.constant 0 : i32
      %cond3A_106 = arith.cmpi ne, %convert_element_type3A_104, %cond3A_105 : i32
      scf.if %cond3A_106 {
        %sub3A = arith.constant 2 : i32
        %sub3A_154 = arith.subi %add3A_91, %sub3A : i32
        %mul3A_155 = arith.constant 1024 : i32
        %mul3A_156 = arith.muli %sub3A_154, %mul3A_155 : i32
        %add3A_157 = arith.addi %mul3A_2, %mul3A_156 : i32
        %dma_wait3A_158 = arith.constant 0 : i32
        %dma_wait3A_159 = tpu.memref_slice %arg5[%add3A_157, %dma_wait3A_158] : memref<262144x16xi32, #tpu.memory_space<hbm>> -> memref<1024x16xi32, #tpu.memory_space<hbm>>
        %dma_wait3A_160 = arith.constant 0 : i32
        %dma_wait3A_161 = tpu.memref_slice %arg5[%add3A_157, %dma_wait3A_160] : memref<262144x16xi32, #tpu.memory_space<hbm>> -> memref<1024x16xi32, #tpu.memory_space<hbm>>
        tpu.wait_dma2 semaphore(%arg14 : memref<!tpu.dma_semaphore, #tpu.memory_space<semaphore_mem>>) src(%arg10 : memref<1024x16xi32, #tpu.memory_space<vmem>>) dst(%dma_wait3A_161 : memref<1024x16xi32, #tpu.memory_space<hbm>>)
      } else {
      }
      %scan3A_107 = arith.constant 0 : i32
      %scan3A_108 = arith.constant 0 : i32
      %scan3A_109 = arith.constant 128 : i32
      %scan3A_110 = arith.addi %scan3A_108, %scan3A_109 : i32
      %scan3A_111 = arith.constant 1 : i32
      scf.for %scan3A_154 = %scan3A_108 to %scan3A_110 step %scan3A_111  : i32 {
        %mul3A_155 = arith.constant 8 : i32
        %mul3A_156 = arith.muli %scan3A_154, %mul3A_155 : i32
        %add3A_157 = arith.constant 0 : i32
        %add3A_158 = arith.addi %mul3A_156, %add3A_157 : i32
        %mul3A_159 = arith.constant 32 : i32
        %mul3A_160 = arith.muli %add3A_158, %mul3A_159 : i32
        %add3A_161 = vector.broadcast %mul3A_160 : i32 to vector<16xi32>
        %add3A_162 = arith.addi %get3A_5, %add3A_161 : vector<16xi32>
        %gather3A = tpu.vector_load_idx %arg8[%add3A_162] : memref<32768xi32, #tpu.memory_space<vmem>>[vector<16xi32>], vector<16xi32>,
        %mul3A_163 = arith.muli %gather3A, %get3A_37 : vector<16xi32>
        %add3A_164 = vector.broadcast %mul3A_160 : i32 to vector<16xi32>
        %add3A_165 = arith.addi %get3A_9, %add3A_164 : vector<16xi32>
        %gather3A_166 = tpu.vector_load_idx %arg8[%add3A_165] : memref<32768xi32, #tpu.memory_space<vmem>>[vector<16xi32>], vector<16xi32>,
        %mul3A_167 = arith.muli %gather3A_166, %get3A_41 : vector<16xi32>
        %add3A_168 = arith.addi %mul3A_163, %mul3A_167 : vector<16xi32>
        %add3A_169 = vector.broadcast %mul3A_160 : i32 to vector<16xi32>
        %add3A_170 = arith.addi %get3A_13, %add3A_169 : vector<16xi32>
        %gather3A_171 = tpu.vector_load_idx %arg8[%add3A_170] : memref<32768xi32, #tpu.memory_space<vmem>>[vector<16xi32>], vector<16xi32>,
        %mul3A_172 = arith.muli %gather3A_171, %get3A_45 : vector<16xi32>
        %add3A_173 = arith.addi %add3A_168, %mul3A_172 : vector<16xi32>
        %add3A_174 = vector.broadcast %mul3A_160 : i32 to vector<16xi32>
        %add3A_175 = arith.addi %get3A_17, %add3A_174 : vector<16xi32>
        %gather3A_176 = tpu.vector_load_idx %arg8[%add3A_175] : memref<32768xi32, #tpu.memory_space<vmem>>[vector<16xi32>], vector<16xi32>,
        %mul3A_177 = arith.muli %gather3A_176, %get3A_49 : vector<16xi32>
        %add3A_178 = arith.addi %add3A_173, %mul3A_177 : vector<16xi32>
        %add3A_179 = vector.broadcast %mul3A_160 : i32 to vector<16xi32>
        %add3A_180 = arith.addi %get3A_21, %add3A_179 : vector<16xi32>
        %gather3A_181 = tpu.vector_load_idx %arg8[%add3A_180] : memref<32768xi32, #tpu.memory_space<vmem>>[vector<16xi32>], vector<16xi32>,
        %mul3A_182 = arith.muli %gather3A_181, %get3A_53 : vector<16xi32>
        %add3A_183 = arith.addi %add3A_178, %mul3A_182 : vector<16xi32>
        %add3A_184 = vector.broadcast %mul3A_160 : i32 to vector<16xi32>
        %add3A_185 = arith.addi %get3A_25, %add3A_184 : vector<16xi32>
        %gather3A_186 = tpu.vector_load_idx %arg8[%add3A_185] : memref<32768xi32, #tpu.memory_space<vmem>>[vector<16xi32>], vector<16xi32>,
        %mul3A_187 = arith.muli %gather3A_186, %get3A_57 : vector<16xi32>
        %add3A_188 = arith.addi %add3A_183, %mul3A_187 : vector<16xi32>
        %add3A_189 = vector.broadcast %mul3A_160 : i32 to vector<16xi32>
        %add3A_190 = arith.addi %get3A_29, %add3A_189 : vector<16xi32>
        %gather3A_191 = tpu.vector_load_idx %arg8[%add3A_190] : memref<32768xi32, #tpu.memory_space<vmem>>[vector<16xi32>], vector<16xi32>,
        %mul3A_192 = arith.muli %gather3A_191, %get3A_61 : vector<16xi32>
        %add3A_193 = arith.addi %add3A_188, %mul3A_192 : vector<16xi32>
        %add3A_194 = vector.broadcast %mul3A_160 : i32 to vector<16xi32>
        %add3A_195 = arith.addi %get3A_33, %add3A_194 : vector<16xi32>
        %gather3A_196 = tpu.vector_load_idx %arg8[%add3A_195] : memref<32768xi32, #tpu.memory_space<vmem>>[vector<16xi32>], vector<16xi32>,
        %mul3A_197 = arith.muli %gather3A_196, %get3A_65 : vector<16xi32>
        %add3A_198 = arith.addi %add3A_193, %mul3A_197 : vector<16xi32>
        %and3A = arith.constant 1 : i32
        %and3A_199 = vector.broadcast %and3A : i32 to vector<16xi32>
        %and3A_200 = arith.andi %add3A_198, %and3A_199 : vector<16xi32>
        %swap3A = arith.index_cast %add3A_158 : i32 to index
        %swap3A_201 = arith.constant 0 : index
        %swap3A_202 = tpu.vector_load %arg10[%swap3A, %swap3A_201] {strides = array<i32>} : memref<1024x16xi32, #tpu.memory_space<vmem>>, vector<16xi32>,
        tpu.vector_store %arg10[%swap3A, %swap3A_201], %and3A_200 {strides = array<i32>} : memref<1024x16xi32, #tpu.memory_space<vmem>>, vector<16xi32>,
        %add3A_203 = arith.constant 1 : i32
        %add3A_204 = arith.addi %mul3A_156, %add3A_203 : i32
        %mul3A_205 = arith.constant 32 : i32
        %mul3A_206 = arith.muli %add3A_204, %mul3A_205 : i32
        %add3A_207 = vector.broadcast %mul3A_206 : i32 to vector<16xi32>
        %add3A_208 = arith.addi %get3A_5, %add3A_207 : vector<16xi32>
        %gather3A_209 = tpu.vector_load_idx %arg8[%add3A_208] : memref<32768xi32, #tpu.memory_space<vmem>>[vector<16xi32>], vector<16xi32>,
        %mul3A_210 = arith.muli %gather3A_209, %get3A_37 : vector<16xi32>
        %add3A_211 = vector.broadcast %mul3A_206 : i32 to vector<16xi32>
        %add3A_212 = arith.addi %get3A_9, %add3A_211 : vector<16xi32>
        %gather3A_213 = tpu.vector_load_idx %arg8[%add3A_212] : memref<32768xi32, #tpu.memory_space<vmem>>[vector<16xi32>], vector<16xi32>,
        %mul3A_214 = arith.muli %gather3A_213, %get3A_41 : vector<16xi32>
        %add3A_215 = arith.addi %mul3A_210, %mul3A_214 : vector<16xi32>
        %add3A_216 = vector.broadcast %mul3A_206 : i32 to vector<16xi32>
        %add3A_217 = arith.addi %get3A_13, %add3A_216 : vector<16xi32>
        %gather3A_218 = tpu.vector_load_idx %arg8[%add3A_217] : memref<32768xi32, #tpu.memory_space<vmem>>[vector<16xi32>], vector<16xi32>,
        %mul3A_219 = arith.muli %gather3A_218, %get3A_45 : vector<16xi32>
        %add3A_220 = arith.addi %add3A_215, %mul3A_219 : vector<16xi32>
        %add3A_221 = vector.broadcast %mul3A_206 : i32 to vector<16xi32>
        %add3A_222 = arith.addi %get3A_17, %add3A_221 : vector<16xi32>
        %gather3A_223 = tpu.vector_load_idx %arg8[%add3A_222] : memref<32768xi32, #tpu.memory_space<vmem>>[vector<16xi32>], vector<16xi32>,
        %mul3A_224 = arith.muli %gather3A_223, %get3A_49 : vector<16xi32>
        %add3A_225 = arith.addi %add3A_220, %mul3A_224 : vector<16xi32>
        %add3A_226 = vector.broadcast %mul3A_206 : i32 to vector<16xi32>
        %add3A_227 = arith.addi %get3A_21, %add3A_226 : vector<16xi32>
        %gather3A_228 = tpu.vector_load_idx %arg8[%add3A_227] : memref<32768xi32, #tpu.memory_space<vmem>>[vector<16xi32>], vector<16xi32>,
        %mul3A_229 = arith.muli %gather3A_228, %get3A_53 : vector<16xi32>
        %add3A_230 = arith.addi %add3A_225, %mul3A_229 : vector<16xi32>
        %add3A_231 = vector.broadcast %mul3A_206 : i32 to vector<16xi32>
        %add3A_232 = arith.addi %get3A_25, %add3A_231 : vector<16xi32>
        %gather3A_233 = tpu.vector_load_idx %arg8[%add3A_232] : memref<32768xi32, #tpu.memory_space<vmem>>[vector<16xi32>], vector<16xi32>,
        %mul3A_234 = arith.muli %gather3A_233, %get3A_57 : vector<16xi32>
        %add3A_235 = arith.addi %add3A_230, %mul3A_234 : vector<16xi32>
        %add3A_236 = vector.broadcast %mul3A_206 : i32 to vector<16xi32>
        %add3A_237 = arith.addi %get3A_29, %add3A_236 : vector<16xi32>
        %gather3A_238 = tpu.vector_load_idx %arg8[%add3A_237] : memref<32768xi32, #tpu.memory_space<vmem>>[vector<16xi32>], vector<16xi32>,
        %mul3A_239 = arith.muli %gather3A_238, %get3A_61 : vector<16xi32>
        %add3A_240 = arith.addi %add3A_235, %mul3A_239 : vector<16xi32>
        %add3A_241 = vector.broadcast %mul3A_206 : i32 to vector<16xi32>
        %add3A_242 = arith.addi %get3A_33, %add3A_241 : vector<16xi32>
        %gather3A_243 = tpu.vector_load_idx %arg8[%add3A_242] : memref<32768xi32, #tpu.memory_space<vmem>>[vector<16xi32>], vector<16xi32>,
        %mul3A_244 = arith.muli %gather3A_243, %get3A_65 : vector<16xi32>
        %add3A_245 = arith.addi %add3A_240, %mul3A_244 : vector<16xi32>
        %and3A_246 = arith.constant 1 : i32
        %and3A_247 = vector.broadcast %and3A_246 : i32 to vector<16xi32>
        %and3A_248 = arith.andi %add3A_245, %and3A_247 : vector<16xi32>
        %swap3A_249 = arith.index_cast %add3A_204 : i32 to index
        %swap3A_250 = arith.constant 0 : index
        %swap3A_251 = tpu.vector_load %arg10[%swap3A_249, %swap3A_250] {strides = array<i32>} : memref<1024x16xi32, #tpu.memory_space<vmem>>, vector<16xi32>,
        tpu.vector_store %arg10[%swap3A_249, %swap3A_250], %and3A_248 {strides = array<i32>} : memref<1024x16xi32, #tpu.memory_space<vmem>>, vector<16xi32>,
        %add3A_252 = arith.constant 2 : i32
        %add3A_253 = arith.addi %mul3A_156, %add3A_252 : i32
        %mul3A_254 = arith.constant 32 : i32
        %mul3A_255 = arith.muli %add3A_253, %mul3A_254 : i32
        %add3A_256 = vector.broadcast %mul3A_255 : i32 to vector<16xi32>
        %add3A_257 = arith.addi %get3A_5, %add3A_256 : vector<16xi32>
        %gather3A_258 = tpu.vector_load_idx %arg8[%add3A_257] : memref<32768xi32, #tpu.memory_space<vmem>>[vector<16xi32>], vector<16xi32>,
        %mul3A_259 = arith.muli %gather3A_258, %get3A_37 : vector<16xi32>
        %add3A_260 = vector.broadcast %mul3A_255 : i32 to vector<16xi32>
        %add3A_261 = arith.addi %get3A_9, %add3A_260 : vector<16xi32>
        %gather3A_262 = tpu.vector_load_idx %arg8[%add3A_261] : memref<32768xi32, #tpu.memory_space<vmem>>[vector<16xi32>], vector<16xi32>,
        %mul3A_263 = arith.muli %gather3A_262, %get3A_41 : vector<16xi32>
        %add3A_264 = arith.addi %mul3A_259, %mul3A_263 : vector<16xi32>
        %add3A_265 = vector.broadcast %mul3A_255 : i32 to vector<16xi32>
        %add3A_266 = arith.addi %get3A_13, %add3A_265 : vector<16xi32>
        %gather3A_267 = tpu.vector_load_idx %arg8[%add3A_266] : memref<32768xi32, #tpu.memory_space<vmem>>[vector<16xi32>], vector<16xi32>,
        %mul3A_268 = arith.muli %gather3A_267, %get3A_45 : vector<16xi32>
        %add3A_269 = arith.addi %add3A_264, %mul3A_268 : vector<16xi32>
        %add3A_270 = vector.broadcast %mul3A_255 : i32 to vector<16xi32>
        %add3A_271 = arith.addi %get3A_17, %add3A_270 : vector<16xi32>
        %gather3A_272 = tpu.vector_load_idx %arg8[%add3A_271] : memref<32768xi32, #tpu.memory_space<vmem>>[vector<16xi32>], vector<16xi32>,
        %mul3A_273 = arith.muli %gather3A_272, %get3A_49 : vector<16xi32>
        %add3A_274 = arith.addi %add3A_269, %mul3A_273 : vector<16xi32>
        %add3A_275 = vector.broadcast %mul3A_255 : i32 to vector<16xi32>
        %add3A_276 = arith.addi %get3A_21, %add3A_275 : vector<16xi32>
        %gather3A_277 = tpu.vector_load_idx %arg8[%add3A_276] : memref<32768xi32, #tpu.memory_space<vmem>>[vector<16xi32>], vector<16xi32>,
        %mul3A_278 = arith.muli %gather3A_277, %get3A_53 : vector<16xi32>
        %add3A_279 = arith.addi %add3A_274, %mul3A_278 : vector<16xi32>
        %add3A_280 = vector.broadcast %mul3A_255 : i32 to vector<16xi32>
        %add3A_281 = arith.addi %get3A_25, %add3A_280 : vector<16xi32>
        %gather3A_282 = tpu.vector_load_idx %arg8[%add3A_281] : memref<32768xi32, #tpu.memory_space<vmem>>[vector<16xi32>], vector<16xi32>,
        %mul3A_283 = arith.muli %gather3A_282, %get3A_57 : vector<16xi32>
        %add3A_284 = arith.addi %add3A_279, %mul3A_283 : vector<16xi32>
        %add3A_285 = vector.broadcast %mul3A_255 : i32 to vector<16xi32>
        %add3A_286 = arith.addi %get3A_29, %add3A_285 : vector<16xi32>
        %gather3A_287 = tpu.vector_load_idx %arg8[%add3A_286] : memref<32768xi32, #tpu.memory_space<vmem>>[vector<16xi32>], vector<16xi32>,
        %mul3A_288 = arith.muli %gather3A_287, %get3A_61 : vector<16xi32>
        %add3A_289 = arith.addi %add3A_284, %mul3A_288 : vector<16xi32>
        %add3A_290 = vector.broadcast %mul3A_255 : i32 to vector<16xi32>
        %add3A_291 = arith.addi %get3A_33, %add3A_290 : vector<16xi32>
        %gather3A_292 = tpu.vector_load_idx %arg8[%add3A_291] : memref<32768xi32, #tpu.memory_space<vmem>>[vector<16xi32>], vector<16xi32>,
        %mul3A_293 = arith.muli %gather3A_292, %get3A_65 : vector<16xi32>
        %add3A_294 = arith.addi %add3A_289, %mul3A_293 : vector<16xi32>
        %and3A_295 = arith.constant 1 : i32
        %and3A_296 = vector.broadcast %and3A_295 : i32 to vector<16xi32>
        %and3A_297 = arith.andi %add3A_294, %and3A_296 : vector<16xi32>
        %swap3A_298 = arith.index_cast %add3A_253 : i32 to index
        %swap3A_299 = arith.constant 0 : index
        %swap3A_300 = tpu.vector_load %arg10[%swap3A_298, %swap3A_299] {strides = array<i32>} : memref<1024x16xi32, #tpu.memory_space<vmem>>, vector<16xi32>,
        tpu.vector_store %arg10[%swap3A_298, %swap3A_299], %and3A_297 {strides = array<i32>} : memref<1024x16xi32, #tpu.memory_space<vmem>>, vector<16xi32>,
        %add3A_301 = arith.constant 3 : i32
        %add3A_302 = arith.addi %mul3A_156, %add3A_301 : i32
        %mul3A_303 = arith.constant 32 : i32
        %mul3A_304 = arith.muli %add3A_302, %mul3A_303 : i32
        %add3A_305 = vector.broadcast %mul3A_304 : i32 to vector<16xi32>
        %add3A_306 = arith.addi %get3A_5, %add3A_305 : vector<16xi32>
        %gather3A_307 = tpu.vector_load_idx %arg8[%add3A_306] : memref<32768xi32, #tpu.memory_space<vmem>>[vector<16xi32>], vector<16xi32>,
        %mul3A_308 = arith.muli %gather3A_307, %get3A_37 : vector<16xi32>
        %add3A_309 = vector.broadcast %mul3A_304 : i32 to vector<16xi32>
        %add3A_310 = arith.addi %get3A_9, %add3A_309 : vector<16xi32>
        %gather3A_311 = tpu.vector_load_idx %arg8[%add3A_310] : memref<32768xi32, #tpu.memory_space<vmem>>[vector<16xi32>], vector<16xi32>,
        %mul3A_312 = arith.muli %gather3A_311, %get3A_41 : vector<16xi32>
        %add3A_313 = arith.addi %mul3A_308, %mul3A_312 : vector<16xi32>
        %add3A_314 = vector.broadcast %mul3A_304 : i32 to vector<16xi32>
        %add3A_315 = arith.addi %get3A_13, %add3A_314 : vector<16xi32>
        %gather3A_316 = tpu.vector_load_idx %arg8[%add3A_315] : memref<32768xi32, #tpu.memory_space<vmem>>[vector<16xi32>], vector<16xi32>,
        %mul3A_317 = arith.muli %gather3A_316, %get3A_45 : vector<16xi32>
        %add3A_318 = arith.addi %add3A_313, %mul3A_317 : vector<16xi32>
        %add3A_319 = vector.broadcast %mul3A_304 : i32 to vector<16xi32>
        %add3A_320 = arith.addi %get3A_17, %add3A_319 : vector<16xi32>
        %gather3A_321 = tpu.vector_load_idx %arg8[%add3A_320] : memref<32768xi32, #tpu.memory_space<vmem>>[vector<16xi32>], vector<16xi32>,
        %mul3A_322 = arith.muli %gather3A_321, %get3A_49 : vector<16xi32>
        %add3A_323 = arith.addi %add3A_318, %mul3A_322 : vector<16xi32>
        %add3A_324 = vector.broadcast %mul3A_304 : i32 to vector<16xi32>
        %add3A_325 = arith.addi %get3A_21, %add3A_324 : vector<16xi32>
        %gather3A_326 = tpu.vector_load_idx %arg8[%add3A_325] : memref<32768xi32, #tpu.memory_space<vmem>>[vector<16xi32>], vector<16xi32>,
        %mul3A_327 = arith.muli %gather3A_326, %get3A_53 : vector<16xi32>
        %add3A_328 = arith.addi %add3A_323, %mul3A_327 : vector<16xi32>
        %add3A_329 = vector.broadcast %mul3A_304 : i32 to vector<16xi32>
        %add3A_330 = arith.addi %get3A_25, %add3A_329 : vector<16xi32>
        %gather3A_331 = tpu.vector_load_idx %arg8[%add3A_330] : memref<32768xi32, #tpu.memory_space<vmem>>[vector<16xi32>], vector<16xi32>,
        %mul3A_332 = arith.muli %gather3A_331, %get3A_57 : vector<16xi32>
        %add3A_333 = arith.addi %add3A_328, %mul3A_332 : vector<16xi32>
        %add3A_334 = vector.broadcast %mul3A_304 : i32 to vector<16xi32>
        %add3A_335 = arith.addi %get3A_29, %add3A_334 : vector<16xi32>
        %gather3A_336 = tpu.vector_load_idx %arg8[%add3A_335] : memref<32768xi32, #tpu.memory_space<vmem>>[vector<16xi32>], vector<16xi32>,
        %mul3A_337 = arith.muli %gather3A_336, %get3A_61 : vector<16xi32>
        %add3A_338 = arith.addi %add3A_333, %mul3A_337 : vector<16xi32>
        %add3A_339 = vector.broadcast %mul3A_304 : i32 to vector<16xi32>
        %add3A_340 = arith.addi %get3A_33, %add3A_339 : vector<16xi32>
        %gather3A_341 = tpu.vector_load_idx %arg8[%add3A_340] : memref<32768xi32, #tpu.memory_space<vmem>>[vector<16xi32>], vector<16xi32>,
        %mul3A_342 = arith.muli %gather3A_341, %get3A_65 : vector<16xi32>
        %add3A_343 = arith.addi %add3A_338, %mul3A_342 : vector<16xi32>
        %and3A_344 = arith.constant 1 : i32
        %and3A_345 = vector.broadcast %and3A_344 : i32 to vector<16xi32>
        %and3A_346 = arith.andi %add3A_343, %and3A_345 : vector<16xi32>
        %swap3A_347 = arith.index_cast %add3A_302 : i32 to index
        %swap3A_348 = arith.constant 0 : index
        %swap3A_349 = tpu.vector_load %arg10[%swap3A_347, %swap3A_348] {strides = array<i32>} : memref<1024x16xi32, #tpu.memory_space<vmem>>, vector<16xi32>,
        tpu.vector_store %arg10[%swap3A_347, %swap3A_348], %and3A_346 {strides = array<i32>} : memref<1024x16xi32, #tpu.memory_space<vmem>>, vector<16xi32>,
        %add3A_350 = arith.constant 4 : i32
        %add3A_351 = arith.addi %mul3A_156, %add3A_350 : i32
        %mul3A_352 = arith.constant 32 : i32
        %mul3A_353 = arith.muli %add3A_351, %mul3A_352 : i32
        %add3A_354 = vector.broadcast %mul3A_353 : i32 to vector<16xi32>
        %add3A_355 = arith.addi %get3A_5, %add3A_354 : vector<16xi32>
        %gather3A_356 = tpu.vector_load_idx %arg8[%add3A_355] : memref<32768xi32, #tpu.memory_space<vmem>>[vector<16xi32>], vector<16xi32>,
        %mul3A_357 = arith.muli %gather3A_356, %get3A_37 : vector<16xi32>
        %add3A_358 = vector.broadcast %mul3A_353 : i32 to vector<16xi32>
        %add3A_359 = arith.addi %get3A_9, %add3A_358 : vector<16xi32>
        %gather3A_360 = tpu.vector_load_idx %arg8[%add3A_359] : memref<32768xi32, #tpu.memory_space<vmem>>[vector<16xi32>], vector<16xi32>,
        %mul3A_361 = arith.muli %gather3A_360, %get3A_41 : vector<16xi32>
        %add3A_362 = arith.addi %mul3A_357, %mul3A_361 : vector<16xi32>
        %add3A_363 = vector.broadcast %mul3A_353 : i32 to vector<16xi32>
        %add3A_364 = arith.addi %get3A_13, %add3A_363 : vector<16xi32>
        %gather3A_365 = tpu.vector_load_idx %arg8[%add3A_364] : memref<32768xi32, #tpu.memory_space<vmem>>[vector<16xi32>], vector<16xi32>,
        %mul3A_366 = arith.muli %gather3A_365, %get3A_45 : vector<16xi32>
        %add3A_367 = arith.addi %add3A_362, %mul3A_366 : vector<16xi32>
        %add3A_368 = vector.broadcast %mul3A_353 : i32 to vector<16xi32>
        %add3A_369 = arith.addi %get3A_17, %add3A_368 : vector<16xi32>
        %gather3A_370 = tpu.vector_load_idx %arg8[%add3A_369] : memref<32768xi32, #tpu.memory_space<vmem>>[vector<16xi32>], vector<16xi32>,
        %mul3A_371 = arith.muli %gather3A_370, %get3A_49 : vector<16xi32>
        %add3A_372 = arith.addi %add3A_367, %mul3A_371 : vector<16xi32>
        %add3A_373 = vector.broadcast %mul3A_353 : i32 to vector<16xi32>
        %add3A_374 = arith.addi %get3A_21, %add3A_373 : vector<16xi32>
        %gather3A_375 = tpu.vector_load_idx %arg8[%add3A_374] : memref<32768xi32, #tpu.memory_space<vmem>>[vector<16xi32>], vector<16xi32>,
        %mul3A_376 = arith.muli %gather3A_375, %get3A_53 : vector<16xi32>
        %add3A_377 = arith.addi %add3A_372, %mul3A_376 : vector<16xi32>
        %add3A_378 = vector.broadcast %mul3A_353 : i32 to vector<16xi32>
        %add3A_379 = arith.addi %get3A_25, %add3A_378 : vector<16xi32>
        %gather3A_380 = tpu.vector_load_idx %arg8[%add3A_379] : memref<32768xi32, #tpu.memory_space<vmem>>[vector<16xi32>], vector<16xi32>,
        %mul3A_381 = arith.muli %gather3A_380, %get3A_57 : vector<16xi32>
        %add3A_382 = arith.addi %add3A_377, %mul3A_381 : vector<16xi32>
        %add3A_383 = vector.broadcast %mul3A_353 : i32 to vector<16xi32>
        %add3A_384 = arith.addi %get3A_29, %add3A_383 : vector<16xi32>
        %gather3A_385 = tpu.vector_load_idx %arg8[%add3A_384] : memref<32768xi32, #tpu.memory_space<vmem>>[vector<16xi32>], vector<16xi32>,
        %mul3A_386 = arith.muli %gather3A_385, %get3A_61 : vector<16xi32>
        %add3A_387 = arith.addi %add3A_382, %mul3A_386 : vector<16xi32>
        %add3A_388 = vector.broadcast %mul3A_353 : i32 to vector<16xi32>
        %add3A_389 = arith.addi %get3A_33, %add3A_388 : vector<16xi32>
        %gather3A_390 = tpu.vector_load_idx %arg8[%add3A_389] : memref<32768xi32, #tpu.memory_space<vmem>>[vector<16xi32>], vector<16xi32>,
        %mul3A_391 = arith.muli %gather3A_390, %get3A_65 : vector<16xi32>
        %add3A_392 = arith.addi %add3A_387, %mul3A_391 : vector<16xi32>
        %and3A_393 = arith.constant 1 : i32
        %and3A_394 = vector.broadcast %and3A_393 : i32 to vector<16xi32>
        %and3A_395 = arith.andi %add3A_392, %and3A_394 : vector<16xi32>
        %swap3A_396 = arith.index_cast %add3A_351 : i32 to index
        %swap3A_397 = arith.constant 0 : index
        %swap3A_398 = tpu.vector_load %arg10[%swap3A_396, %swap3A_397] {strides = array<i32>} : memref<1024x16xi32, #tpu.memory_space<vmem>>, vector<16xi32>,
        tpu.vector_store %arg10[%swap3A_396, %swap3A_397], %and3A_395 {strides = array<i32>} : memref<1024x16xi32, #tpu.memory_space<vmem>>, vector<16xi32>,
        %add3A_399 = arith.constant 5 : i32
        %add3A_400 = arith.addi %mul3A_156, %add3A_399 : i32
        %mul3A_401 = arith.constant 32 : i32
        %mul3A_402 = arith.muli %add3A_400, %mul3A_401 : i32
        %add3A_403 = vector.broadcast %mul3A_402 : i32 to vector<16xi32>
        %add3A_404 = arith.addi %get3A_5, %add3A_403 : vector<16xi32>
        %gather3A_405 = tpu.vector_load_idx %arg8[%add3A_404] : memref<32768xi32, #tpu.memory_space<vmem>>[vector<16xi32>], vector<16xi32>,
        %mul3A_406 = arith.muli %gather3A_405, %get3A_37 : vector<16xi32>
        %add3A_407 = vector.broadcast %mul3A_402 : i32 to vector<16xi32>
        %add3A_408 = arith.addi %get3A_9, %add3A_407 : vector<16xi32>
        %gather3A_409 = tpu.vector_load_idx %arg8[%add3A_408] : memref<32768xi32, #tpu.memory_space<vmem>>[vector<16xi32>], vector<16xi32>,
        %mul3A_410 = arith.muli %gather3A_409, %get3A_41 : vector<16xi32>
        %add3A_411 = arith.addi %mul3A_406, %mul3A_410 : vector<16xi32>
        %add3A_412 = vector.broadcast %mul3A_402 : i32 to vector<16xi32>
        %add3A_413 = arith.addi %get3A_13, %add3A_412 : vector<16xi32>
        %gather3A_414 = tpu.vector_load_idx %arg8[%add3A_413] : memref<32768xi32, #tpu.memory_space<vmem>>[vector<16xi32>], vector<16xi32>,
        %mul3A_415 = arith.muli %gather3A_414, %get3A_45 : vector<16xi32>
        %add3A_416 = arith.addi %add3A_411, %mul3A_415 : vector<16xi32>
        %add3A_417 = vector.broadcast %mul3A_402 : i32 to vector<16xi32>
        %add3A_418 = arith.addi %get3A_17, %add3A_417 : vector<16xi32>
        %gather3A_419 = tpu.vector_load_idx %arg8[%add3A_418] : memref<32768xi32, #tpu.memory_space<vmem>>[vector<16xi32>], vector<16xi32>,
        %mul3A_420 = arith.muli %gather3A_419, %get3A_49 : vector<16xi32>
        %add3A_421 = arith.addi %add3A_416, %mul3A_420 : vector<16xi32>
        %add3A_422 = vector.broadcast %mul3A_402 : i32 to vector<16xi32>
        %add3A_423 = arith.addi %get3A_21, %add3A_422 : vector<16xi32>
        %gather3A_424 = tpu.vector_load_idx %arg8[%add3A_423] : memref<32768xi32, #tpu.memory_space<vmem>>[vector<16xi32>], vector<16xi32>,
        %mul3A_425 = arith.muli %gather3A_424, %get3A_53 : vector<16xi32>
        %add3A_426 = arith.addi %add3A_421, %mul3A_425 : vector<16xi32>
        %add3A_427 = vector.broadcast %mul3A_402 : i32 to vector<16xi32>
        %add3A_428 = arith.addi %get3A_25, %add3A_427 : vector<16xi32>
        %gather3A_429 = tpu.vector_load_idx %arg8[%add3A_428] : memref<32768xi32, #tpu.memory_space<vmem>>[vector<16xi32>], vector<16xi32>,
        %mul3A_430 = arith.muli %gather3A_429, %get3A_57 : vector<16xi32>
        %add3A_431 = arith.addi %add3A_426, %mul3A_430 : vector<16xi32>
        %add3A_432 = vector.broadcast %mul3A_402 : i32 to vector<16xi32>
        %add3A_433 = arith.addi %get3A_29, %add3A_432 : vector<16xi32>
        %gather3A_434 = tpu.vector_load_idx %arg8[%add3A_433] : memref<32768xi32, #tpu.memory_space<vmem>>[vector<16xi32>], vector<16xi32>,
        %mul3A_435 = arith.muli %gather3A_434, %get3A_61 : vector<16xi32>
        %add3A_436 = arith.addi %add3A_431, %mul3A_435 : vector<16xi32>
        %add3A_437 = vector.broadcast %mul3A_402 : i32 to vector<16xi32>
        %add3A_438 = arith.addi %get3A_33, %add3A_437 : vector<16xi32>
        %gather3A_439 = tpu.vector_load_idx %arg8[%add3A_438] : memref<32768xi32, #tpu.memory_space<vmem>>[vector<16xi32>], vector<16xi32>,
        %mul3A_440 = arith.muli %gather3A_439, %get3A_65 : vector<16xi32>
        %add3A_441 = arith.addi %add3A_436, %mul3A_440 : vector<16xi32>
        %and3A_442 = arith.constant 1 : i32
        %and3A_443 = vector.broadcast %and3A_442 : i32 to vector<16xi32>
        %and3A_444 = arith.andi %add3A_441, %and3A_443 : vector<16xi32>
        %swap3A_445 = arith.index_cast %add3A_400 : i32 to index
        %swap3A_446 = arith.constant 0 : index
        %swap3A_447 = tpu.vector_load %arg10[%swap3A_445, %swap3A_446] {strides = array<i32>} : memref<1024x16xi32, #tpu.memory_space<vmem>>, vector<16xi32>,
        tpu.vector_store %arg10[%swap3A_445, %swap3A_446], %and3A_444 {strides = array<i32>} : memref<1024x16xi32, #tpu.memory_space<vmem>>, vector<16xi32>,
        %add3A_448 = arith.constant 6 : i32
        %add3A_449 = arith.addi %mul3A_156, %add3A_448 : i32
        %mul3A_450 = arith.constant 32 : i32
        %mul3A_451 = arith.muli %add3A_449, %mul3A_450 : i32
        %add3A_452 = vector.broadcast %mul3A_451 : i32 to vector<16xi32>
        %add3A_453 = arith.addi %get3A_5, %add3A_452 : vector<16xi32>
        %gather3A_454 = tpu.vector_load_idx %arg8[%add3A_453] : memref<32768xi32, #tpu.memory_space<vmem>>[vector<16xi32>], vector<16xi32>,
        %mul3A_455 = arith.muli %gather3A_454, %get3A_37 : vector<16xi32>
        %add3A_456 = vector.broadcast %mul3A_451 : i32 to vector<16xi32>
        %add3A_457 = arith.addi %get3A_9, %add3A_456 : vector<16xi32>
        %gather3A_458 = tpu.vector_load_idx %arg8[%add3A_457] : memref<32768xi32, #tpu.memory_space<vmem>>[vector<16xi32>], vector<16xi32>,
        %mul3A_459 = arith.muli %gather3A_458, %get3A_41 : vector<16xi32>
        %add3A_460 = arith.addi %mul3A_455, %mul3A_459 : vector<16xi32>
        %add3A_461 = vector.broadcast %mul3A_451 : i32 to vector<16xi32>
        %add3A_462 = arith.addi %get3A_13, %add3A_461 : vector<16xi32>
        %gather3A_463 = tpu.vector_load_idx %arg8[%add3A_462] : memref<32768xi32, #tpu.memory_space<vmem>>[vector<16xi32>], vector<16xi32>,
        %mul3A_464 = arith.muli %gather3A_463, %get3A_45 : vector<16xi32>
        %add3A_465 = arith.addi %add3A_460, %mul3A_464 : vector<16xi32>
        %add3A_466 = vector.broadcast %mul3A_451 : i32 to vector<16xi32>
        %add3A_467 = arith.addi %get3A_17, %add3A_466 : vector<16xi32>
        %gather3A_468 = tpu.vector_load_idx %arg8[%add3A_467] : memref<32768xi32, #tpu.memory_space<vmem>>[vector<16xi32>], vector<16xi32>,
        %mul3A_469 = arith.muli %gather3A_468, %get3A_49 : vector<16xi32>
        %add3A_470 = arith.addi %add3A_465, %mul3A_469 : vector<16xi32>
        %add3A_471 = vector.broadcast %mul3A_451 : i32 to vector<16xi32>
        %add3A_472 = arith.addi %get3A_21, %add3A_471 : vector<16xi32>
        %gather3A_473 = tpu.vector_load_idx %arg8[%add3A_472] : memref<32768xi32, #tpu.memory_space<vmem>>[vector<16xi32>], vector<16xi32>,
        %mul3A_474 = arith.muli %gather3A_473, %get3A_53 : vector<16xi32>
        %add3A_475 = arith.addi %add3A_470, %mul3A_474 : vector<16xi32>
        %add3A_476 = vector.broadcast %mul3A_451 : i32 to vector<16xi32>
        %add3A_477 = arith.addi %get3A_25, %add3A_476 : vector<16xi32>
        %gather3A_478 = tpu.vector_load_idx %arg8[%add3A_477] : memref<32768xi32, #tpu.memory_space<vmem>>[vector<16xi32>], vector<16xi32>,
        %mul3A_479 = arith.muli %gather3A_478, %get3A_57 : vector<16xi32>
        %add3A_480 = arith.addi %add3A_475, %mul3A_479 : vector<16xi32>
        %add3A_481 = vector.broadcast %mul3A_451 : i32 to vector<16xi32>
        %add3A_482 = arith.addi %get3A_29, %add3A_481 : vector<16xi32>
        %gather3A_483 = tpu.vector_load_idx %arg8[%add3A_482] : memref<32768xi32, #tpu.memory_space<vmem>>[vector<16xi32>], vector<16xi32>,
        %mul3A_484 = arith.muli %gather3A_483, %get3A_61 : vector<16xi32>
        %add3A_485 = arith.addi %add3A_480, %mul3A_484 : vector<16xi32>
        %add3A_486 = vector.broadcast %mul3A_451 : i32 to vector<16xi32>
        %add3A_487 = arith.addi %get3A_33, %add3A_486 : vector<16xi32>
        %gather3A_488 = tpu.vector_load_idx %arg8[%add3A_487] : memref<32768xi32, #tpu.memory_space<vmem>>[vector<16xi32>], vector<16xi32>,
        %mul3A_489 = arith.muli %gather3A_488, %get3A_65 : vector<16xi32>
        %add3A_490 = arith.addi %add3A_485, %mul3A_489 : vector<16xi32>
        %and3A_491 = arith.constant 1 : i32
        %and3A_492 = vector.broadcast %and3A_491 : i32 to vector<16xi32>
        %and3A_493 = arith.andi %add3A_490, %and3A_492 : vector<16xi32>
        %swap3A_494 = arith.index_cast %add3A_449 : i32 to index
        %swap3A_495 = arith.constant 0 : index
        %swap3A_496 = tpu.vector_load %arg10[%swap3A_494, %swap3A_495] {strides = array<i32>} : memref<1024x16xi32, #tpu.memory_space<vmem>>, vector<16xi32>,
        tpu.vector_store %arg10[%swap3A_494, %swap3A_495], %and3A_493 {strides = array<i32>} : memref<1024x16xi32, #tpu.memory_space<vmem>>, vector<16xi32>,
        %add3A_497 = arith.constant 7 : i32
        %add3A_498 = arith.addi %mul3A_156, %add3A_497 : i32
        %mul3A_499 = arith.constant 32 : i32
        %mul3A_500 = arith.muli %add3A_498, %mul3A_499 : i32
        %add3A_501 = vector.broadcast %mul3A_500 : i32 to vector<16xi32>
        %add3A_502 = arith.addi %get3A_5, %add3A_501 : vector<16xi32>
        %gather3A_503 = tpu.vector_load_idx %arg8[%add3A_502] : memref<32768xi32, #tpu.memory_space<vmem>>[vector<16xi32>], vector<16xi32>,
        %mul3A_504 = arith.muli %gather3A_503, %get3A_37 : vector<16xi32>
        %add3A_505 = vector.broadcast %mul3A_500 : i32 to vector<16xi32>
        %add3A_506 = arith.addi %get3A_9, %add3A_505 : vector<16xi32>
        %gather3A_507 = tpu.vector_load_idx %arg8[%add3A_506] : memref<32768xi32, #tpu.memory_space<vmem>>[vector<16xi32>], vector<16xi32>,
        %mul3A_508 = arith.muli %gather3A_507, %get3A_41 : vector<16xi32>
        %add3A_509 = arith.addi %mul3A_504, %mul3A_508 : vector<16xi32>
        %add3A_510 = vector.broadcast %mul3A_500 : i32 to vector<16xi32>
        %add3A_511 = arith.addi %get3A_13, %add3A_510 : vector<16xi32>
        %gather3A_512 = tpu.vector_load_idx %arg8[%add3A_511] : memref<32768xi32, #tpu.memory_space<vmem>>[vector<16xi32>], vector<16xi32>,
        %mul3A_513 = arith.muli %gather3A_512, %get3A_45 : vector<16xi32>
        %add3A_514 = arith.addi %add3A_509, %mul3A_513 : vector<16xi32>
        %add3A_515 = vector.broadcast %mul3A_500 : i32 to vector<16xi32>
        %add3A_516 = arith.addi %get3A_17, %add3A_515 : vector<16xi32>
        %gather3A_517 = tpu.vector_load_idx %arg8[%add3A_516] : memref<32768xi32, #tpu.memory_space<vmem>>[vector<16xi32>], vector<16xi32>,
        %mul3A_518 = arith.muli %gather3A_517, %get3A_49 : vector<16xi32>
        %add3A_519 = arith.addi %add3A_514, %mul3A_518 : vector<16xi32>
        %add3A_520 = vector.broadcast %mul3A_500 : i32 to vector<16xi32>
        %add3A_521 = arith.addi %get3A_21, %add3A_520 : vector<16xi32>
        %gather3A_522 = tpu.vector_load_idx %arg8[%add3A_521] : memref<32768xi32, #tpu.memory_space<vmem>>[vector<16xi32>], vector<16xi32>,
        %mul3A_523 = arith.muli %gather3A_522, %get3A_53 : vector<16xi32>
        %add3A_524 = arith.addi %add3A_519, %mul3A_523 : vector<16xi32>
        %add3A_525 = vector.broadcast %mul3A_500 : i32 to vector<16xi32>
        %add3A_526 = arith.addi %get3A_25, %add3A_525 : vector<16xi32>
        %gather3A_527 = tpu.vector_load_idx %arg8[%add3A_526] : memref<32768xi32, #tpu.memory_space<vmem>>[vector<16xi32>], vector<16xi32>,
        %mul3A_528 = arith.muli %gather3A_527, %get3A_57 : vector<16xi32>
        %add3A_529 = arith.addi %add3A_524, %mul3A_528 : vector<16xi32>
        %add3A_530 = vector.broadcast %mul3A_500 : i32 to vector<16xi32>
        %add3A_531 = arith.addi %get3A_29, %add3A_530 : vector<16xi32>
        %gather3A_532 = tpu.vector_load_idx %arg8[%add3A_531] : memref<32768xi32, #tpu.memory_space<vmem>>[vector<16xi32>], vector<16xi32>,
        %mul3A_533 = arith.muli %gather3A_532, %get3A_61 : vector<16xi32>
        %add3A_534 = arith.addi %add3A_529, %mul3A_533 : vector<16xi32>
        %add3A_535 = vector.broadcast %mul3A_500 : i32 to vector<16xi32>
        %add3A_536 = arith.addi %get3A_33, %add3A_535 : vector<16xi32>
        %gather3A_537 = tpu.vector_load_idx %arg8[%add3A_536] : memref<32768xi32, #tpu.memory_space<vmem>>[vector<16xi32>], vector<16xi32>,
        %mul3A_538 = arith.muli %gather3A_537, %get3A_65 : vector<16xi32>
        %add3A_539 = arith.addi %add3A_534, %mul3A_538 : vector<16xi32>
        %and3A_540 = arith.constant 1 : i32
        %and3A_541 = vector.broadcast %and3A_540 : i32 to vector<16xi32>
        %and3A_542 = arith.andi %add3A_539, %and3A_541 : vector<16xi32>
        %swap3A_543 = arith.index_cast %add3A_498 : i32 to index
        %swap3A_544 = arith.constant 0 : index
        %swap3A_545 = tpu.vector_load %arg10[%swap3A_543, %swap3A_544] {strides = array<i32>} : memref<1024x16xi32, #tpu.memory_space<vmem>>, vector<16xi32>,
        tpu.vector_store %arg10[%swap3A_543, %swap3A_544], %and3A_542 {strides = array<i32>} : memref<1024x16xi32, #tpu.memory_space<vmem>>, vector<16xi32>,
      }
      %scan3A_112 = arith.constant 128 : i32
      %mul3A_113 = arith.constant 1024 : i32
      %mul3A_114 = arith.muli %add3A_91, %mul3A_113 : i32
      %add3A_115 = arith.addi %mul3A_2, %mul3A_114 : i32
      %dma_start3A_116 = arith.constant 0 : i32
      %dma_start3A_117 = tpu.memref_slice %arg5[%add3A_115, %dma_start3A_116] : memref<262144x16xi32, #tpu.memory_space<hbm>> -> memref<1024x16xi32, #tpu.memory_space<hbm>>
      %dma_start3A_118 = arith.constant 0 : i32
      %dma_start3A_119 = tpu.memref_slice %arg5[%add3A_115, %dma_start3A_118] : memref<262144x16xi32, #tpu.memory_space<hbm>> -> memref<1024x16xi32, #tpu.memory_space<hbm>>
      tpu.enqueue_dma source(%arg10 : memref<1024x16xi32, #tpu.memory_space<vmem>>) target(%dma_start3A_119 : memref<1024x16xi32, #tpu.memory_space<hbm>>) target_semaphore(%arg14 : memref<!tpu.dma_semaphore, #tpu.memory_space<semaphore_mem>>)
      %add3A_120 = arith.constant 1 : i32
      %add3A_121 = arith.addi %mul3A_89, %add3A_120 : i32
      %add3A_122 = arith.constant 1 : i32
      %add3A_123 = arith.addi %add3A_121, %add3A_122 : i32
      %lt3A_124 = arith.constant 8 : i32
      %lt3A_125 = arith.cmpi slt, %add3A_123, %lt3A_124 : i32
      %convert_element_type3A_126 = arith.extui %lt3A_125 : i1 to i32
      %cond3A_127 = arith.constant 0 : i32
      %cond3A_128 = arith.cmpi ne, %convert_element_type3A_126, %cond3A_127 : i32
      scf.if %cond3A_128 {
        %mul3A_154 = arith.constant 1024 : i32
        %mul3A_155 = arith.muli %add3A_123, %mul3A_154 : i32
        %add3A_156 = arith.addi %mul3A_2, %mul3A_155 : i32
        %mul3A_157 = arith.constant 32 : i32
        %mul3A_158 = arith.muli %add3A_156, %mul3A_157 : i32
        %dma_start3A_159 = tpu.memref_slice %arg2[%mul3A_158] : memref<8388608xi32, #tpu.memory_space<hbm>> -> memref<32768xi32, #tpu.memory_space<hbm>>
        %dma_start3A_160 = tpu.memref_slice %arg2[%mul3A_158] : memref<8388608xi32, #tpu.memory_space<hbm>> -> memref<32768xi32, #tpu.memory_space<hbm>>
        tpu.enqueue_dma source(%dma_start3A_160 : memref<32768xi32, #tpu.memory_space<hbm>>) target(%arg8 : memref<32768xi32, #tpu.memory_space<vmem>>) target_semaphore(%arg12 : memref<!tpu.dma_semaphore, #tpu.memory_space<semaphore_mem>>)
      } else {
      }
      %mul3A_129 = arith.constant 1024 : i32
      %mul3A_130 = arith.muli %add3A_121, %mul3A_129 : i32
      %add3A_131 = arith.addi %mul3A_2, %mul3A_130 : i32
      %mul3A_132 = arith.constant 32 : i32
      %mul3A_133 = arith.muli %add3A_131, %mul3A_132 : i32
      %dma_wait3A_134 = tpu.memref_slice %arg2[%mul3A_133] : memref<8388608xi32, #tpu.memory_space<hbm>> -> memref<32768xi32, #tpu.memory_space<hbm>>
      %dma_wait3A_135 = tpu.memref_slice %arg2[%mul3A_133] : memref<8388608xi32, #tpu.memory_space<hbm>> -> memref<32768xi32, #tpu.memory_space<hbm>>
      tpu.wait_dma2 semaphore(%arg13 : memref<!tpu.dma_semaphore, #tpu.memory_space<semaphore_mem>>) src(%dma_wait3A_135 : memref<32768xi32, #tpu.memory_space<hbm>>) dst(%arg9 : memref<32768xi32, #tpu.memory_space<vmem>>)
      %ge3A_136 = arith.constant 2 : i32
      %ge3A_137 = arith.cmpi sge, %add3A_121, %ge3A_136 : i32
      %convert_element_type3A_138 = arith.extui %ge3A_137 : i1 to i32
      %cond3A_139 = arith.constant 0 : i32
      %cond3A_140 = arith.cmpi ne, %convert_element_type3A_138, %cond3A_139 : i32
      scf.if %cond3A_140 {
        %sub3A = arith.constant 2 : i32
        %sub3A_154 = arith.subi %add3A_121, %sub3A : i32
        %mul3A_155 = arith.constant 1024 : i32
        %mul3A_156 = arith.muli %sub3A_154, %mul3A_155 : i32
        %add3A_157 = arith.addi %mul3A_2, %mul3A_156 : i32
        %dma_wait3A_158 = arith.constant 0 : i32
        %dma_wait3A_159 = tpu.memref_slice %arg5[%add3A_157, %dma_wait3A_158] : memref<262144x16xi32, #tpu.memory_space<hbm>> -> memref<1024x16xi32, #tpu.memory_space<hbm>>
        %dma_wait3A_160 = arith.constant 0 : i32
        %dma_wait3A_161 = tpu.memref_slice %arg5[%add3A_157, %dma_wait3A_160] : memref<262144x16xi32, #tpu.memory_space<hbm>> -> memref<1024x16xi32, #tpu.memory_space<hbm>>
        tpu.wait_dma2 semaphore(%arg15 : memref<!tpu.dma_semaphore, #tpu.memory_space<semaphore_mem>>) src(%arg11 : memref<1024x16xi32, #tpu.memory_space<vmem>>) dst(%dma_wait3A_161 : memref<1024x16xi32, #tpu.memory_space<hbm>>)
      } else {
      }
      %scan3A_141 = arith.constant 0 : i32
      %scan3A_142 = arith.constant 0 : i32
      %scan3A_143 = arith.constant 128 : i32
      %scan3A_144 = arith.addi %scan3A_142, %scan3A_143 : i32
      %scan3A_145 = arith.constant 1 : i32
      scf.for %scan3A_154 = %scan3A_142 to %scan3A_144 step %scan3A_145  : i32 {
        %mul3A_155 = arith.constant 8 : i32
        %mul3A_156 = arith.muli %scan3A_154, %mul3A_155 : i32
        %add3A_157 = arith.constant 0 : i32
        %add3A_158 = arith.addi %mul3A_156, %add3A_157 : i32
        %mul3A_159 = arith.constant 32 : i32
        %mul3A_160 = arith.muli %add3A_158, %mul3A_159 : i32
        %add3A_161 = vector.broadcast %mul3A_160 : i32 to vector<16xi32>
        %add3A_162 = arith.addi %get3A_5, %add3A_161 : vector<16xi32>
        %gather3A = tpu.vector_load_idx %arg9[%add3A_162] : memref<32768xi32, #tpu.memory_space<vmem>>[vector<16xi32>], vector<16xi32>,
        %mul3A_163 = arith.muli %gather3A, %get3A_37 : vector<16xi32>
        %add3A_164 = vector.broadcast %mul3A_160 : i32 to vector<16xi32>
        %add3A_165 = arith.addi %get3A_9, %add3A_164 : vector<16xi32>
        %gather3A_166 = tpu.vector_load_idx %arg9[%add3A_165] : memref<32768xi32, #tpu.memory_space<vmem>>[vector<16xi32>], vector<16xi32>,
        %mul3A_167 = arith.muli %gather3A_166, %get3A_41 : vector<16xi32>
        %add3A_168 = arith.addi %mul3A_163, %mul3A_167 : vector<16xi32>
        %add3A_169 = vector.broadcast %mul3A_160 : i32 to vector<16xi32>
        %add3A_170 = arith.addi %get3A_13, %add3A_169 : vector<16xi32>
        %gather3A_171 = tpu.vector_load_idx %arg9[%add3A_170] : memref<32768xi32, #tpu.memory_space<vmem>>[vector<16xi32>], vector<16xi32>,
        %mul3A_172 = arith.muli %gather3A_171, %get3A_45 : vector<16xi32>
        %add3A_173 = arith.addi %add3A_168, %mul3A_172 : vector<16xi32>
        %add3A_174 = vector.broadcast %mul3A_160 : i32 to vector<16xi32>
        %add3A_175 = arith.addi %get3A_17, %add3A_174 : vector<16xi32>
        %gather3A_176 = tpu.vector_load_idx %arg9[%add3A_175] : memref<32768xi32, #tpu.memory_space<vmem>>[vector<16xi32>], vector<16xi32>,
        %mul3A_177 = arith.muli %gather3A_176, %get3A_49 : vector<16xi32>
        %add3A_178 = arith.addi %add3A_173, %mul3A_177 : vector<16xi32>
        %add3A_179 = vector.broadcast %mul3A_160 : i32 to vector<16xi32>
        %add3A_180 = arith.addi %get3A_21, %add3A_179 : vector<16xi32>
        %gather3A_181 = tpu.vector_load_idx %arg9[%add3A_180] : memref<32768xi32, #tpu.memory_space<vmem>>[vector<16xi32>], vector<16xi32>,
        %mul3A_182 = arith.muli %gather3A_181, %get3A_53 : vector<16xi32>
        %add3A_183 = arith.addi %add3A_178, %mul3A_182 : vector<16xi32>
        %add3A_184 = vector.broadcast %mul3A_160 : i32 to vector<16xi32>
        %add3A_185 = arith.addi %get3A_25, %add3A_184 : vector<16xi32>
        %gather3A_186 = tpu.vector_load_idx %arg9[%add3A_185] : memref<32768xi32, #tpu.memory_space<vmem>>[vector<16xi32>], vector<16xi32>,
        %mul3A_187 = arith.muli %gather3A_186, %get3A_57 : vector<16xi32>
        %add3A_188 = arith.addi %add3A_183, %mul3A_187 : vector<16xi32>
        %add3A_189 = vector.broadcast %mul3A_160 : i32 to vector<16xi32>
        %add3A_190 = arith.addi %get3A_29, %add3A_189 : vector<16xi32>
        %gather3A_191 = tpu.vector_load_idx %arg9[%add3A_190] : memref<32768xi32, #tpu.memory_space<vmem>>[vector<16xi32>], vector<16xi32>,
        %mul3A_192 = arith.muli %gather3A_191, %get3A_61 : vector<16xi32>
        %add3A_193 = arith.addi %add3A_188, %mul3A_192 : vector<16xi32>
        %add3A_194 = vector.broadcast %mul3A_160 : i32 to vector<16xi32>
        %add3A_195 = arith.addi %get3A_33, %add3A_194 : vector<16xi32>
        %gather3A_196 = tpu.vector_load_idx %arg9[%add3A_195] : memref<32768xi32, #tpu.memory_space<vmem>>[vector<16xi32>], vector<16xi32>,
        %mul3A_197 = arith.muli %gather3A_196, %get3A_65 : vector<16xi32>
        %add3A_198 = arith.addi %add3A_193, %mul3A_197 : vector<16xi32>
        %and3A = arith.constant 1 : i32
        %and3A_199 = vector.broadcast %and3A : i32 to vector<16xi32>
        %and3A_200 = arith.andi %add3A_198, %and3A_199 : vector<16xi32>
        %swap3A = arith.index_cast %add3A_158 : i32 to index
        %swap3A_201 = arith.constant 0 : index
        %swap3A_202 = tpu.vector_load %arg11[%swap3A, %swap3A_201] {strides = array<i32>} : memref<1024x16xi32, #tpu.memory_space<vmem>>, vector<16xi32>,
        tpu.vector_store %arg11[%swap3A, %swap3A_201], %and3A_200 {strides = array<i32>} : memref<1024x16xi32, #tpu.memory_space<vmem>>, vector<16xi32>,
        %add3A_203 = arith.constant 1 : i32
        %add3A_204 = arith.addi %mul3A_156, %add3A_203 : i32
        %mul3A_205 = arith.constant 32 : i32
        %mul3A_206 = arith.muli %add3A_204, %mul3A_205 : i32
        %add3A_207 = vector.broadcast %mul3A_206 : i32 to vector<16xi32>
        %add3A_208 = arith.addi %get3A_5, %add3A_207 : vector<16xi32>
        %gather3A_209 = tpu.vector_load_idx %arg9[%add3A_208] : memref<32768xi32, #tpu.memory_space<vmem>>[vector<16xi32>], vector<16xi32>,
        %mul3A_210 = arith.muli %gather3A_209, %get3A_37 : vector<16xi32>
        %add3A_211 = vector.broadcast %mul3A_206 : i32 to vector<16xi32>
        %add3A_212 = arith.addi %get3A_9, %add3A_211 : vector<16xi32>
        %gather3A_213 = tpu.vector_load_idx %arg9[%add3A_212] : memref<32768xi32, #tpu.memory_space<vmem>>[vector<16xi32>], vector<16xi32>,
        %mul3A_214 = arith.muli %gather3A_213, %get3A_41 : vector<16xi32>
        %add3A_215 = arith.addi %mul3A_210, %mul3A_214 : vector<16xi32>
        %add3A_216 = vector.broadcast %mul3A_206 : i32 to vector<16xi32>
        %add3A_217 = arith.addi %get3A_13, %add3A_216 : vector<16xi32>
        %gather3A_218 = tpu.vector_load_idx %arg9[%add3A_217] : memref<32768xi32, #tpu.memory_space<vmem>>[vector<16xi32>], vector<16xi32>,
        %mul3A_219 = arith.muli %gather3A_218, %get3A_45 : vector<16xi32>
        %add3A_220 = arith.addi %add3A_215, %mul3A_219 : vector<16xi32>
        %add3A_221 = vector.broadcast %mul3A_206 : i32 to vector<16xi32>
        %add3A_222 = arith.addi %get3A_17, %add3A_221 : vector<16xi32>
        %gather3A_223 = tpu.vector_load_idx %arg9[%add3A_222] : memref<32768xi32, #tpu.memory_space<vmem>>[vector<16xi32>], vector<16xi32>,
        %mul3A_224 = arith.muli %gather3A_223, %get3A_49 : vector<16xi32>
        %add3A_225 = arith.addi %add3A_220, %mul3A_224 : vector<16xi32>
        %add3A_226 = vector.broadcast %mul3A_206 : i32 to vector<16xi32>
        %add3A_227 = arith.addi %get3A_21, %add3A_226 : vector<16xi32>
        %gather3A_228 = tpu.vector_load_idx %arg9[%add3A_227] : memref<32768xi32, #tpu.memory_space<vmem>>[vector<16xi32>], vector<16xi32>,
        %mul3A_229 = arith.muli %gather3A_228, %get3A_53 : vector<16xi32>
        %add3A_230 = arith.addi %add3A_225, %mul3A_229 : vector<16xi32>
        %add3A_231 = vector.broadcast %mul3A_206 : i32 to vector<16xi32>
        %add3A_232 = arith.addi %get3A_25, %add3A_231 : vector<16xi32>
        %gather3A_233 = tpu.vector_load_idx %arg9[%add3A_232] : memref<32768xi32, #tpu.memory_space<vmem>>[vector<16xi32>], vector<16xi32>,
        %mul3A_234 = arith.muli %gather3A_233, %get3A_57 : vector<16xi32>
        %add3A_235 = arith.addi %add3A_230, %mul3A_234 : vector<16xi32>
        %add3A_236 = vector.broadcast %mul3A_206 : i32 to vector<16xi32>
        %add3A_237 = arith.addi %get3A_29, %add3A_236 : vector<16xi32>
        %gather3A_238 = tpu.vector_load_idx %arg9[%add3A_237] : memref<32768xi32, #tpu.memory_space<vmem>>[vector<16xi32>], vector<16xi32>,
        %mul3A_239 = arith.muli %gather3A_238, %get3A_61 : vector<16xi32>
        %add3A_240 = arith.addi %add3A_235, %mul3A_239 : vector<16xi32>
        %add3A_241 = vector.broadcast %mul3A_206 : i32 to vector<16xi32>
        %add3A_242 = arith.addi %get3A_33, %add3A_241 : vector<16xi32>
        %gather3A_243 = tpu.vector_load_idx %arg9[%add3A_242] : memref<32768xi32, #tpu.memory_space<vmem>>[vector<16xi32>], vector<16xi32>,
        %mul3A_244 = arith.muli %gather3A_243, %get3A_65 : vector<16xi32>
        %add3A_245 = arith.addi %add3A_240, %mul3A_244 : vector<16xi32>
        %and3A_246 = arith.constant 1 : i32
        %and3A_247 = vector.broadcast %and3A_246 : i32 to vector<16xi32>
        %and3A_248 = arith.andi %add3A_245, %and3A_247 : vector<16xi32>
        %swap3A_249 = arith.index_cast %add3A_204 : i32 to index
        %swap3A_250 = arith.constant 0 : index
        %swap3A_251 = tpu.vector_load %arg11[%swap3A_249, %swap3A_250] {strides = array<i32>} : memref<1024x16xi32, #tpu.memory_space<vmem>>, vector<16xi32>,
        tpu.vector_store %arg11[%swap3A_249, %swap3A_250], %and3A_248 {strides = array<i32>} : memref<1024x16xi32, #tpu.memory_space<vmem>>, vector<16xi32>,
        %add3A_252 = arith.constant 2 : i32
        %add3A_253 = arith.addi %mul3A_156, %add3A_252 : i32
        %mul3A_254 = arith.constant 32 : i32
        %mul3A_255 = arith.muli %add3A_253, %mul3A_254 : i32
        %add3A_256 = vector.broadcast %mul3A_255 : i32 to vector<16xi32>
        %add3A_257 = arith.addi %get3A_5, %add3A_256 : vector<16xi32>
        %gather3A_258 = tpu.vector_load_idx %arg9[%add3A_257] : memref<32768xi32, #tpu.memory_space<vmem>>[vector<16xi32>], vector<16xi32>,
        %mul3A_259 = arith.muli %gather3A_258, %get3A_37 : vector<16xi32>
        %add3A_260 = vector.broadcast %mul3A_255 : i32 to vector<16xi32>
        %add3A_261 = arith.addi %get3A_9, %add3A_260 : vector<16xi32>
        %gather3A_262 = tpu.vector_load_idx %arg9[%add3A_261] : memref<32768xi32, #tpu.memory_space<vmem>>[vector<16xi32>], vector<16xi32>,
        %mul3A_263 = arith.muli %gather3A_262, %get3A_41 : vector<16xi32>
        %add3A_264 = arith.addi %mul3A_259, %mul3A_263 : vector<16xi32>
        %add3A_265 = vector.broadcast %mul3A_255 : i32 to vector<16xi32>
        %add3A_266 = arith.addi %get3A_13, %add3A_265 : vector<16xi32>
        %gather3A_267 = tpu.vector_load_idx %arg9[%add3A_266] : memref<32768xi32, #tpu.memory_space<vmem>>[vector<16xi32>], vector<16xi32>,
        %mul3A_268 = arith.muli %gather3A_267, %get3A_45 : vector<16xi32>
        %add3A_269 = arith.addi %add3A_264, %mul3A_268 : vector<16xi32>
        %add3A_270 = vector.broadcast %mul3A_255 : i32 to vector<16xi32>
        %add3A_271 = arith.addi %get3A_17, %add3A_270 : vector<16xi32>
        %gather3A_272 = tpu.vector_load_idx %arg9[%add3A_271] : memref<32768xi32, #tpu.memory_space<vmem>>[vector<16xi32>], vector<16xi32>,
        %mul3A_273 = arith.muli %gather3A_272, %get3A_49 : vector<16xi32>
        %add3A_274 = arith.addi %add3A_269, %mul3A_273 : vector<16xi32>
        %add3A_275 = vector.broadcast %mul3A_255 : i32 to vector<16xi32>
        %add3A_276 = arith.addi %get3A_21, %add3A_275 : vector<16xi32>
        %gather3A_277 = tpu.vector_load_idx %arg9[%add3A_276] : memref<32768xi32, #tpu.memory_space<vmem>>[vector<16xi32>], vector<16xi32>,
        %mul3A_278 = arith.muli %gather3A_277, %get3A_53 : vector<16xi32>
        %add3A_279 = arith.addi %add3A_274, %mul3A_278 : vector<16xi32>
        %add3A_280 = vector.broadcast %mul3A_255 : i32 to vector<16xi32>
        %add3A_281 = arith.addi %get3A_25, %add3A_280 : vector<16xi32>
        %gather3A_282 = tpu.vector_load_idx %arg9[%add3A_281] : memref<32768xi32, #tpu.memory_space<vmem>>[vector<16xi32>], vector<16xi32>,
        %mul3A_283 = arith.muli %gather3A_282, %get3A_57 : vector<16xi32>
        %add3A_284 = arith.addi %add3A_279, %mul3A_283 : vector<16xi32>
        %add3A_285 = vector.broadcast %mul3A_255 : i32 to vector<16xi32>
        %add3A_286 = arith.addi %get3A_29, %add3A_285 : vector<16xi32>
        %gather3A_287 = tpu.vector_load_idx %arg9[%add3A_286] : memref<32768xi32, #tpu.memory_space<vmem>>[vector<16xi32>], vector<16xi32>,
        %mul3A_288 = arith.muli %gather3A_287, %get3A_61 : vector<16xi32>
        %add3A_289 = arith.addi %add3A_284, %mul3A_288 : vector<16xi32>
        %add3A_290 = vector.broadcast %mul3A_255 : i32 to vector<16xi32>
        %add3A_291 = arith.addi %get3A_33, %add3A_290 : vector<16xi32>
        %gather3A_292 = tpu.vector_load_idx %arg9[%add3A_291] : memref<32768xi32, #tpu.memory_space<vmem>>[vector<16xi32>], vector<16xi32>,
        %mul3A_293 = arith.muli %gather3A_292, %get3A_65 : vector<16xi32>
        %add3A_294 = arith.addi %add3A_289, %mul3A_293 : vector<16xi32>
        %and3A_295 = arith.constant 1 : i32
        %and3A_296 = vector.broadcast %and3A_295 : i32 to vector<16xi32>
        %and3A_297 = arith.andi %add3A_294, %and3A_296 : vector<16xi32>
        %swap3A_298 = arith.index_cast %add3A_253 : i32 to index
        %swap3A_299 = arith.constant 0 : index
        %swap3A_300 = tpu.vector_load %arg11[%swap3A_298, %swap3A_299] {strides = array<i32>} : memref<1024x16xi32, #tpu.memory_space<vmem>>, vector<16xi32>,
        tpu.vector_store %arg11[%swap3A_298, %swap3A_299], %and3A_297 {strides = array<i32>} : memref<1024x16xi32, #tpu.memory_space<vmem>>, vector<16xi32>,
        %add3A_301 = arith.constant 3 : i32
        %add3A_302 = arith.addi %mul3A_156, %add3A_301 : i32
        %mul3A_303 = arith.constant 32 : i32
        %mul3A_304 = arith.muli %add3A_302, %mul3A_303 : i32
        %add3A_305 = vector.broadcast %mul3A_304 : i32 to vector<16xi32>
        %add3A_306 = arith.addi %get3A_5, %add3A_305 : vector<16xi32>
        %gather3A_307 = tpu.vector_load_idx %arg9[%add3A_306] : memref<32768xi32, #tpu.memory_space<vmem>>[vector<16xi32>], vector<16xi32>,
        %mul3A_308 = arith.muli %gather3A_307, %get3A_37 : vector<16xi32>
        %add3A_309 = vector.broadcast %mul3A_304 : i32 to vector<16xi32>
        %add3A_310 = arith.addi %get3A_9, %add3A_309 : vector<16xi32>
        %gather3A_311 = tpu.vector_load_idx %arg9[%add3A_310] : memref<32768xi32, #tpu.memory_space<vmem>>[vector<16xi32>], vector<16xi32>,
        %mul3A_312 = arith.muli %gather3A_311, %get3A_41 : vector<16xi32>
        %add3A_313 = arith.addi %mul3A_308, %mul3A_312 : vector<16xi32>
        %add3A_314 = vector.broadcast %mul3A_304 : i32 to vector<16xi32>
        %add3A_315 = arith.addi %get3A_13, %add3A_314 : vector<16xi32>
        %gather3A_316 = tpu.vector_load_idx %arg9[%add3A_315] : memref<32768xi32, #tpu.memory_space<vmem>>[vector<16xi32>], vector<16xi32>,
        %mul3A_317 = arith.muli %gather3A_316, %get3A_45 : vector<16xi32>
        %add3A_318 = arith.addi %add3A_313, %mul3A_317 : vector<16xi32>
        %add3A_319 = vector.broadcast %mul3A_304 : i32 to vector<16xi32>
        %add3A_320 = arith.addi %get3A_17, %add3A_319 : vector<16xi32>
        %gather3A_321 = tpu.vector_load_idx %arg9[%add3A_320] : memref<32768xi32, #tpu.memory_space<vmem>>[vector<16xi32>], vector<16xi32>,
        %mul3A_322 = arith.muli %gather3A_321, %get3A_49 : vector<16xi32>
        %add3A_323 = arith.addi %add3A_318, %mul3A_322 : vector<16xi32>
        %add3A_324 = vector.broadcast %mul3A_304 : i32 to vector<16xi32>
        %add3A_325 = arith.addi %get3A_21, %add3A_324 : vector<16xi32>
        %gather3A_326 = tpu.vector_load_idx %arg9[%add3A_325] : memref<32768xi32, #tpu.memory_space<vmem>>[vector<16xi32>], vector<16xi32>,
        %mul3A_327 = arith.muli %gather3A_326, %get3A_53 : vector<16xi32>
        %add3A_328 = arith.addi %add3A_323, %mul3A_327 : vector<16xi32>
        %add3A_329 = vector.broadcast %mul3A_304 : i32 to vector<16xi32>
        %add3A_330 = arith.addi %get3A_25, %add3A_329 : vector<16xi32>
        %gather3A_331 = tpu.vector_load_idx %arg9[%add3A_330] : memref<32768xi32, #tpu.memory_space<vmem>>[vector<16xi32>], vector<16xi32>,
        %mul3A_332 = arith.muli %gather3A_331, %get3A_57 : vector<16xi32>
        %add3A_333 = arith.addi %add3A_328, %mul3A_332 : vector<16xi32>
        %add3A_334 = vector.broadcast %mul3A_304 : i32 to vector<16xi32>
        %add3A_335 = arith.addi %get3A_29, %add3A_334 : vector<16xi32>
        %gather3A_336 = tpu.vector_load_idx %arg9[%add3A_335] : memref<32768xi32, #tpu.memory_space<vmem>>[vector<16xi32>], vector<16xi32>,
        %mul3A_337 = arith.muli %gather3A_336, %get3A_61 : vector<16xi32>
        %add3A_338 = arith.addi %add3A_333, %mul3A_337 : vector<16xi32>
        %add3A_339 = vector.broadcast %mul3A_304 : i32 to vector<16xi32>
        %add3A_340 = arith.addi %get3A_33, %add3A_339 : vector<16xi32>
        %gather3A_341 = tpu.vector_load_idx %arg9[%add3A_340] : memref<32768xi32, #tpu.memory_space<vmem>>[vector<16xi32>], vector<16xi32>,
        %mul3A_342 = arith.muli %gather3A_341, %get3A_65 : vector<16xi32>
        %add3A_343 = arith.addi %add3A_338, %mul3A_342 : vector<16xi32>
        %and3A_344 = arith.constant 1 : i32
        %and3A_345 = vector.broadcast %and3A_344 : i32 to vector<16xi32>
        %and3A_346 = arith.andi %add3A_343, %and3A_345 : vector<16xi32>
        %swap3A_347 = arith.index_cast %add3A_302 : i32 to index
        %swap3A_348 = arith.constant 0 : index
        %swap3A_349 = tpu.vector_load %arg11[%swap3A_347, %swap3A_348] {strides = array<i32>} : memref<1024x16xi32, #tpu.memory_space<vmem>>, vector<16xi32>,
        tpu.vector_store %arg11[%swap3A_347, %swap3A_348], %and3A_346 {strides = array<i32>} : memref<1024x16xi32, #tpu.memory_space<vmem>>, vector<16xi32>,
        %add3A_350 = arith.constant 4 : i32
        %add3A_351 = arith.addi %mul3A_156, %add3A_350 : i32
        %mul3A_352 = arith.constant 32 : i32
        %mul3A_353 = arith.muli %add3A_351, %mul3A_352 : i32
        %add3A_354 = vector.broadcast %mul3A_353 : i32 to vector<16xi32>
        %add3A_355 = arith.addi %get3A_5, %add3A_354 : vector<16xi32>
        %gather3A_356 = tpu.vector_load_idx %arg9[%add3A_355] : memref<32768xi32, #tpu.memory_space<vmem>>[vector<16xi32>], vector<16xi32>,
        %mul3A_357 = arith.muli %gather3A_356, %get3A_37 : vector<16xi32>
        %add3A_358 = vector.broadcast %mul3A_353 : i32 to vector<16xi32>
        %add3A_359 = arith.addi %get3A_9, %add3A_358 : vector<16xi32>
        %gather3A_360 = tpu.vector_load_idx %arg9[%add3A_359] : memref<32768xi32, #tpu.memory_space<vmem>>[vector<16xi32>], vector<16xi32>,
        %mul3A_361 = arith.muli %gather3A_360, %get3A_41 : vector<16xi32>
        %add3A_362 = arith.addi %mul3A_357, %mul3A_361 : vector<16xi32>
        %add3A_363 = vector.broadcast %mul3A_353 : i32 to vector<16xi32>
        %add3A_364 = arith.addi %get3A_13, %add3A_363 : vector<16xi32>
        %gather3A_365 = tpu.vector_load_idx %arg9[%add3A_364] : memref<32768xi32, #tpu.memory_space<vmem>>[vector<16xi32>], vector<16xi32>,
        %mul3A_366 = arith.muli %gather3A_365, %get3A_45 : vector<16xi32>
        %add3A_367 = arith.addi %add3A_362, %mul3A_366 : vector<16xi32>
        %add3A_368 = vector.broadcast %mul3A_353 : i32 to vector<16xi32>
        %add3A_369 = arith.addi %get3A_17, %add3A_368 : vector<16xi32>
        %gather3A_370 = tpu.vector_load_idx %arg9[%add3A_369] : memref<32768xi32, #tpu.memory_space<vmem>>[vector<16xi32>], vector<16xi32>,
        %mul3A_371 = arith.muli %gather3A_370, %get3A_49 : vector<16xi32>
        %add3A_372 = arith.addi %add3A_367, %mul3A_371 : vector<16xi32>
        %add3A_373 = vector.broadcast %mul3A_353 : i32 to vector<16xi32>
        %add3A_374 = arith.addi %get3A_21, %add3A_373 : vector<16xi32>
        %gather3A_375 = tpu.vector_load_idx %arg9[%add3A_374] : memref<32768xi32, #tpu.memory_space<vmem>>[vector<16xi32>], vector<16xi32>,
        %mul3A_376 = arith.muli %gather3A_375, %get3A_53 : vector<16xi32>
        %add3A_377 = arith.addi %add3A_372, %mul3A_376 : vector<16xi32>
        %add3A_378 = vector.broadcast %mul3A_353 : i32 to vector<16xi32>
        %add3A_379 = arith.addi %get3A_25, %add3A_378 : vector<16xi32>
        %gather3A_380 = tpu.vector_load_idx %arg9[%add3A_379] : memref<32768xi32, #tpu.memory_space<vmem>>[vector<16xi32>], vector<16xi32>,
        %mul3A_381 = arith.muli %gather3A_380, %get3A_57 : vector<16xi32>
        %add3A_382 = arith.addi %add3A_377, %mul3A_381 : vector<16xi32>
        %add3A_383 = vector.broadcast %mul3A_353 : i32 to vector<16xi32>
        %add3A_384 = arith.addi %get3A_29, %add3A_383 : vector<16xi32>
        %gather3A_385 = tpu.vector_load_idx %arg9[%add3A_384] : memref<32768xi32, #tpu.memory_space<vmem>>[vector<16xi32>], vector<16xi32>,
        %mul3A_386 = arith.muli %gather3A_385, %get3A_61 : vector<16xi32>
        %add3A_387 = arith.addi %add3A_382, %mul3A_386 : vector<16xi32>
        %add3A_388 = vector.broadcast %mul3A_353 : i32 to vector<16xi32>
        %add3A_389 = arith.addi %get3A_33, %add3A_388 : vector<16xi32>
        %gather3A_390 = tpu.vector_load_idx %arg9[%add3A_389] : memref<32768xi32, #tpu.memory_space<vmem>>[vector<16xi32>], vector<16xi32>,
        %mul3A_391 = arith.muli %gather3A_390, %get3A_65 : vector<16xi32>
        %add3A_392 = arith.addi %add3A_387, %mul3A_391 : vector<16xi32>
        %and3A_393 = arith.constant 1 : i32
        %and3A_394 = vector.broadcast %and3A_393 : i32 to vector<16xi32>
        %and3A_395 = arith.andi %add3A_392, %and3A_394 : vector<16xi32>
        %swap3A_396 = arith.index_cast %add3A_351 : i32 to index
        %swap3A_397 = arith.constant 0 : index
        %swap3A_398 = tpu.vector_load %arg11[%swap3A_396, %swap3A_397] {strides = array<i32>} : memref<1024x16xi32, #tpu.memory_space<vmem>>, vector<16xi32>,
        tpu.vector_store %arg11[%swap3A_396, %swap3A_397], %and3A_395 {strides = array<i32>} : memref<1024x16xi32, #tpu.memory_space<vmem>>, vector<16xi32>,
        %add3A_399 = arith.constant 5 : i32
        %add3A_400 = arith.addi %mul3A_156, %add3A_399 : i32
        %mul3A_401 = arith.constant 32 : i32
        %mul3A_402 = arith.muli %add3A_400, %mul3A_401 : i32
        %add3A_403 = vector.broadcast %mul3A_402 : i32 to vector<16xi32>
        %add3A_404 = arith.addi %get3A_5, %add3A_403 : vector<16xi32>
        %gather3A_405 = tpu.vector_load_idx %arg9[%add3A_404] : memref<32768xi32, #tpu.memory_space<vmem>>[vector<16xi32>], vector<16xi32>,
        %mul3A_406 = arith.muli %gather3A_405, %get3A_37 : vector<16xi32>
        %add3A_407 = vector.broadcast %mul3A_402 : i32 to vector<16xi32>
        %add3A_408 = arith.addi %get3A_9, %add3A_407 : vector<16xi32>
        %gather3A_409 = tpu.vector_load_idx %arg9[%add3A_408] : memref<32768xi32, #tpu.memory_space<vmem>>[vector<16xi32>], vector<16xi32>,
        %mul3A_410 = arith.muli %gather3A_409, %get3A_41 : vector<16xi32>
        %add3A_411 = arith.addi %mul3A_406, %mul3A_410 : vector<16xi32>
        %add3A_412 = vector.broadcast %mul3A_402 : i32 to vector<16xi32>
        %add3A_413 = arith.addi %get3A_13, %add3A_412 : vector<16xi32>
        %gather3A_414 = tpu.vector_load_idx %arg9[%add3A_413] : memref<32768xi32, #tpu.memory_space<vmem>>[vector<16xi32>], vector<16xi32>,
        %mul3A_415 = arith.muli %gather3A_414, %get3A_45 : vector<16xi32>
        %add3A_416 = arith.addi %add3A_411, %mul3A_415 : vector<16xi32>
        %add3A_417 = vector.broadcast %mul3A_402 : i32 to vector<16xi32>
        %add3A_418 = arith.addi %get3A_17, %add3A_417 : vector<16xi32>
        %gather3A_419 = tpu.vector_load_idx %arg9[%add3A_418] : memref<32768xi32, #tpu.memory_space<vmem>>[vector<16xi32>], vector<16xi32>,
        %mul3A_420 = arith.muli %gather3A_419, %get3A_49 : vector<16xi32>
        %add3A_421 = arith.addi %add3A_416, %mul3A_420 : vector<16xi32>
        %add3A_422 = vector.broadcast %mul3A_402 : i32 to vector<16xi32>
        %add3A_423 = arith.addi %get3A_21, %add3A_422 : vector<16xi32>
        %gather3A_424 = tpu.vector_load_idx %arg9[%add3A_423] : memref<32768xi32, #tpu.memory_space<vmem>>[vector<16xi32>], vector<16xi32>,
        %mul3A_425 = arith.muli %gather3A_424, %get3A_53 : vector<16xi32>
        %add3A_426 = arith.addi %add3A_421, %mul3A_425 : vector<16xi32>
        %add3A_427 = vector.broadcast %mul3A_402 : i32 to vector<16xi32>
        %add3A_428 = arith.addi %get3A_25, %add3A_427 : vector<16xi32>
        %gather3A_429 = tpu.vector_load_idx %arg9[%add3A_428] : memref<32768xi32, #tpu.memory_space<vmem>>[vector<16xi32>], vector<16xi32>,
        %mul3A_430 = arith.muli %gather3A_429, %get3A_57 : vector<16xi32>
        %add3A_431 = arith.addi %add3A_426, %mul3A_430 : vector<16xi32>
        %add3A_432 = vector.broadcast %mul3A_402 : i32 to vector<16xi32>
        %add3A_433 = arith.addi %get3A_29, %add3A_432 : vector<16xi32>
        %gather3A_434 = tpu.vector_load_idx %arg9[%add3A_433] : memref<32768xi32, #tpu.memory_space<vmem>>[vector<16xi32>], vector<16xi32>,
        %mul3A_435 = arith.muli %gather3A_434, %get3A_61 : vector<16xi32>
        %add3A_436 = arith.addi %add3A_431, %mul3A_435 : vector<16xi32>
        %add3A_437 = vector.broadcast %mul3A_402 : i32 to vector<16xi32>
        %add3A_438 = arith.addi %get3A_33, %add3A_437 : vector<16xi32>
        %gather3A_439 = tpu.vector_load_idx %arg9[%add3A_438] : memref<32768xi32, #tpu.memory_space<vmem>>[vector<16xi32>], vector<16xi32>,
        %mul3A_440 = arith.muli %gather3A_439, %get3A_65 : vector<16xi32>
        %add3A_441 = arith.addi %add3A_436, %mul3A_440 : vector<16xi32>
        %and3A_442 = arith.constant 1 : i32
        %and3A_443 = vector.broadcast %and3A_442 : i32 to vector<16xi32>
        %and3A_444 = arith.andi %add3A_441, %and3A_443 : vector<16xi32>
        %swap3A_445 = arith.index_cast %add3A_400 : i32 to index
        %swap3A_446 = arith.constant 0 : index
        %swap3A_447 = tpu.vector_load %arg11[%swap3A_445, %swap3A_446] {strides = array<i32>} : memref<1024x16xi32, #tpu.memory_space<vmem>>, vector<16xi32>,
        tpu.vector_store %arg11[%swap3A_445, %swap3A_446], %and3A_444 {strides = array<i32>} : memref<1024x16xi32, #tpu.memory_space<vmem>>, vector<16xi32>,
        %add3A_448 = arith.constant 6 : i32
        %add3A_449 = arith.addi %mul3A_156, %add3A_448 : i32
        %mul3A_450 = arith.constant 32 : i32
        %mul3A_451 = arith.muli %add3A_449, %mul3A_450 : i32
        %add3A_452 = vector.broadcast %mul3A_451 : i32 to vector<16xi32>
        %add3A_453 = arith.addi %get3A_5, %add3A_452 : vector<16xi32>
        %gather3A_454 = tpu.vector_load_idx %arg9[%add3A_453] : memref<32768xi32, #tpu.memory_space<vmem>>[vector<16xi32>], vector<16xi32>,
        %mul3A_455 = arith.muli %gather3A_454, %get3A_37 : vector<16xi32>
        %add3A_456 = vector.broadcast %mul3A_451 : i32 to vector<16xi32>
        %add3A_457 = arith.addi %get3A_9, %add3A_456 : vector<16xi32>
        %gather3A_458 = tpu.vector_load_idx %arg9[%add3A_457] : memref<32768xi32, #tpu.memory_space<vmem>>[vector<16xi32>], vector<16xi32>,
        %mul3A_459 = arith.muli %gather3A_458, %get3A_41 : vector<16xi32>
        %add3A_460 = arith.addi %mul3A_455, %mul3A_459 : vector<16xi32>
        %add3A_461 = vector.broadcast %mul3A_451 : i32 to vector<16xi32>
        %add3A_462 = arith.addi %get3A_13, %add3A_461 : vector<16xi32>
        %gather3A_463 = tpu.vector_load_idx %arg9[%add3A_462] : memref<32768xi32, #tpu.memory_space<vmem>>[vector<16xi32>], vector<16xi32>,
        %mul3A_464 = arith.muli %gather3A_463, %get3A_45 : vector<16xi32>
        %add3A_465 = arith.addi %add3A_460, %mul3A_464 : vector<16xi32>
        %add3A_466 = vector.broadcast %mul3A_451 : i32 to vector<16xi32>
        %add3A_467 = arith.addi %get3A_17, %add3A_466 : vector<16xi32>
        %gather3A_468 = tpu.vector_load_idx %arg9[%add3A_467] : memref<32768xi32, #tpu.memory_space<vmem>>[vector<16xi32>], vector<16xi32>,
        %mul3A_469 = arith.muli %gather3A_468, %get3A_49 : vector<16xi32>
        %add3A_470 = arith.addi %add3A_465, %mul3A_469 : vector<16xi32>
        %add3A_471 = vector.broadcast %mul3A_451 : i32 to vector<16xi32>
        %add3A_472 = arith.addi %get3A_21, %add3A_471 : vector<16xi32>
        %gather3A_473 = tpu.vector_load_idx %arg9[%add3A_472] : memref<32768xi32, #tpu.memory_space<vmem>>[vector<16xi32>], vector<16xi32>,
        %mul3A_474 = arith.muli %gather3A_473, %get3A_53 : vector<16xi32>
        %add3A_475 = arith.addi %add3A_470, %mul3A_474 : vector<16xi32>
        %add3A_476 = vector.broadcast %mul3A_451 : i32 to vector<16xi32>
        %add3A_477 = arith.addi %get3A_25, %add3A_476 : vector<16xi32>
        %gather3A_478 = tpu.vector_load_idx %arg9[%add3A_477] : memref<32768xi32, #tpu.memory_space<vmem>>[vector<16xi32>], vector<16xi32>,
        %mul3A_479 = arith.muli %gather3A_478, %get3A_57 : vector<16xi32>
        %add3A_480 = arith.addi %add3A_475, %mul3A_479 : vector<16xi32>
        %add3A_481 = vector.broadcast %mul3A_451 : i32 to vector<16xi32>
        %add3A_482 = arith.addi %get3A_29, %add3A_481 : vector<16xi32>
        %gather3A_483 = tpu.vector_load_idx %arg9[%add3A_482] : memref<32768xi32, #tpu.memory_space<vmem>>[vector<16xi32>], vector<16xi32>,
        %mul3A_484 = arith.muli %gather3A_483, %get3A_61 : vector<16xi32>
        %add3A_485 = arith.addi %add3A_480, %mul3A_484 : vector<16xi32>
        %add3A_486 = vector.broadcast %mul3A_451 : i32 to vector<16xi32>
        %add3A_487 = arith.addi %get3A_33, %add3A_486 : vector<16xi32>
        %gather3A_488 = tpu.vector_load_idx %arg9[%add3A_487] : memref<32768xi32, #tpu.memory_space<vmem>>[vector<16xi32>], vector<16xi32>,
        %mul3A_489 = arith.muli %gather3A_488, %get3A_65 : vector<16xi32>
        %add3A_490 = arith.addi %add3A_485, %mul3A_489 : vector<16xi32>
        %and3A_491 = arith.constant 1 : i32
        %and3A_492 = vector.broadcast %and3A_491 : i32 to vector<16xi32>
        %and3A_493 = arith.andi %add3A_490, %and3A_492 : vector<16xi32>
        %swap3A_494 = arith.index_cast %add3A_449 : i32 to index
        %swap3A_495 = arith.constant 0 : index
        %swap3A_496 = tpu.vector_load %arg11[%swap3A_494, %swap3A_495] {strides = array<i32>} : memref<1024x16xi32, #tpu.memory_space<vmem>>, vector<16xi32>,
        tpu.vector_store %arg11[%swap3A_494, %swap3A_495], %and3A_493 {strides = array<i32>} : memref<1024x16xi32, #tpu.memory_space<vmem>>, vector<16xi32>,
        %add3A_497 = arith.constant 7 : i32
        %add3A_498 = arith.addi %mul3A_156, %add3A_497 : i32
        %mul3A_499 = arith.constant 32 : i32
        %mul3A_500 = arith.muli %add3A_498, %mul3A_499 : i32
        %add3A_501 = vector.broadcast %mul3A_500 : i32 to vector<16xi32>
        %add3A_502 = arith.addi %get3A_5, %add3A_501 : vector<16xi32>
        %gather3A_503 = tpu.vector_load_idx %arg9[%add3A_502] : memref<32768xi32, #tpu.memory_space<vmem>>[vector<16xi32>], vector<16xi32>,
        %mul3A_504 = arith.muli %gather3A_503, %get3A_37 : vector<16xi32>
        %add3A_505 = vector.broadcast %mul3A_500 : i32 to vector<16xi32>
        %add3A_506 = arith.addi %get3A_9, %add3A_505 : vector<16xi32>
        %gather3A_507 = tpu.vector_load_idx %arg9[%add3A_506] : memref<32768xi32, #tpu.memory_space<vmem>>[vector<16xi32>], vector<16xi32>,
        %mul3A_508 = arith.muli %gather3A_507, %get3A_41 : vector<16xi32>
        %add3A_509 = arith.addi %mul3A_504, %mul3A_508 : vector<16xi32>
        %add3A_510 = vector.broadcast %mul3A_500 : i32 to vector<16xi32>
        %add3A_511 = arith.addi %get3A_13, %add3A_510 : vector<16xi32>
        %gather3A_512 = tpu.vector_load_idx %arg9[%add3A_511] : memref<32768xi32, #tpu.memory_space<vmem>>[vector<16xi32>], vector<16xi32>,
        %mul3A_513 = arith.muli %gather3A_512, %get3A_45 : vector<16xi32>
        %add3A_514 = arith.addi %add3A_509, %mul3A_513 : vector<16xi32>
        %add3A_515 = vector.broadcast %mul3A_500 : i32 to vector<16xi32>
        %add3A_516 = arith.addi %get3A_17, %add3A_515 : vector<16xi32>
        %gather3A_517 = tpu.vector_load_idx %arg9[%add3A_516] : memref<32768xi32, #tpu.memory_space<vmem>>[vector<16xi32>], vector<16xi32>,
        %mul3A_518 = arith.muli %gather3A_517, %get3A_49 : vector<16xi32>
        %add3A_519 = arith.addi %add3A_514, %mul3A_518 : vector<16xi32>
        %add3A_520 = vector.broadcast %mul3A_500 : i32 to vector<16xi32>
        %add3A_521 = arith.addi %get3A_21, %add3A_520 : vector<16xi32>
        %gather3A_522 = tpu.vector_load_idx %arg9[%add3A_521] : memref<32768xi32, #tpu.memory_space<vmem>>[vector<16xi32>], vector<16xi32>,
        %mul3A_523 = arith.muli %gather3A_522, %get3A_53 : vector<16xi32>
        %add3A_524 = arith.addi %add3A_519, %mul3A_523 : vector<16xi32>
        %add3A_525 = vector.broadcast %mul3A_500 : i32 to vector<16xi32>
        %add3A_526 = arith.addi %get3A_25, %add3A_525 : vector<16xi32>
        %gather3A_527 = tpu.vector_load_idx %arg9[%add3A_526] : memref<32768xi32, #tpu.memory_space<vmem>>[vector<16xi32>], vector<16xi32>,
        %mul3A_528 = arith.muli %gather3A_527, %get3A_57 : vector<16xi32>
        %add3A_529 = arith.addi %add3A_524, %mul3A_528 : vector<16xi32>
        %add3A_530 = vector.broadcast %mul3A_500 : i32 to vector<16xi32>
        %add3A_531 = arith.addi %get3A_29, %add3A_530 : vector<16xi32>
        %gather3A_532 = tpu.vector_load_idx %arg9[%add3A_531] : memref<32768xi32, #tpu.memory_space<vmem>>[vector<16xi32>], vector<16xi32>,
        %mul3A_533 = arith.muli %gather3A_532, %get3A_61 : vector<16xi32>
        %add3A_534 = arith.addi %add3A_529, %mul3A_533 : vector<16xi32>
        %add3A_535 = vector.broadcast %mul3A_500 : i32 to vector<16xi32>
        %add3A_536 = arith.addi %get3A_33, %add3A_535 : vector<16xi32>
        %gather3A_537 = tpu.vector_load_idx %arg9[%add3A_536] : memref<32768xi32, #tpu.memory_space<vmem>>[vector<16xi32>], vector<16xi32>,
        %mul3A_538 = arith.muli %gather3A_537, %get3A_65 : vector<16xi32>
        %add3A_539 = arith.addi %add3A_534, %mul3A_538 : vector<16xi32>
        %and3A_540 = arith.constant 1 : i32
        %and3A_541 = vector.broadcast %and3A_540 : i32 to vector<16xi32>
        %and3A_542 = arith.andi %add3A_539, %and3A_541 : vector<16xi32>
        %swap3A_543 = arith.index_cast %add3A_498 : i32 to index
        %swap3A_544 = arith.constant 0 : index
        %swap3A_545 = tpu.vector_load %arg11[%swap3A_543, %swap3A_544] {strides = array<i32>} : memref<1024x16xi32, #tpu.memory_space<vmem>>, vector<16xi32>,
        tpu.vector_store %arg11[%swap3A_543, %swap3A_544], %and3A_542 {strides = array<i32>} : memref<1024x16xi32, #tpu.memory_space<vmem>>, vector<16xi32>,
      }
      %scan3A_146 = arith.constant 128 : i32
      %mul3A_147 = arith.constant 1024 : i32
      %mul3A_148 = arith.muli %add3A_121, %mul3A_147 : i32
      %add3A_149 = arith.addi %mul3A_2, %mul3A_148 : i32
      %dma_start3A_150 = arith.constant 0 : i32
      %dma_start3A_151 = tpu.memref_slice %arg5[%add3A_149, %dma_start3A_150] : memref<262144x16xi32, #tpu.memory_space<hbm>> -> memref<1024x16xi32, #tpu.memory_space<hbm>>
      %dma_start3A_152 = arith.constant 0 : i32
      %dma_start3A_153 = tpu.memref_slice %arg5[%add3A_149, %dma_start3A_152] : memref<262144x16xi32, #tpu.memory_space<hbm>> -> memref<1024x16xi32, #tpu.memory_space<hbm>>
      tpu.enqueue_dma source(%arg11 : memref<1024x16xi32, #tpu.memory_space<vmem>>) target(%dma_start3A_153 : memref<1024x16xi32, #tpu.memory_space<hbm>>) target_semaphore(%arg15 : memref<!tpu.dma_semaphore, #tpu.memory_space<semaphore_mem>>)
    }
    %scan3A_75 = arith.constant 4 : i32
    %add3A_76 = arith.constant 6144 : i32
    %add3A_77 = arith.addi %mul3A_2, %add3A_76 : i32
    %dma_wait3A = arith.constant 0 : i32
    %dma_wait3A_78 = tpu.memref_slice %arg5[%add3A_77, %dma_wait3A] : memref<262144x16xi32, #tpu.memory_space<hbm>> -> memref<1024x16xi32, #tpu.memory_space<hbm>>
    %dma_wait3A_79 = arith.constant 0 : i32
    %dma_wait3A_80 = tpu.memref_slice %arg5[%add3A_77, %dma_wait3A_79] : memref<262144x16xi32, #tpu.memory_space<hbm>> -> memref<1024x16xi32, #tpu.memory_space<hbm>>
    tpu.wait_dma2 semaphore(%arg14 : memref<!tpu.dma_semaphore, #tpu.memory_space<semaphore_mem>>) src(%arg10 : memref<1024x16xi32, #tpu.memory_space<vmem>>) dst(%dma_wait3A_80 : memref<1024x16xi32, #tpu.memory_space<hbm>>)
    %add3A_81 = arith.constant 7168 : i32
    %add3A_82 = arith.addi %mul3A_2, %add3A_81 : i32
    %dma_wait3A_83 = arith.constant 0 : i32
    %dma_wait3A_84 = tpu.memref_slice %arg5[%add3A_82, %dma_wait3A_83] : memref<262144x16xi32, #tpu.memory_space<hbm>> -> memref<1024x16xi32, #tpu.memory_space<hbm>>
    %dma_wait3A_85 = arith.constant 0 : i32
    %dma_wait3A_86 = tpu.memref_slice %arg5[%add3A_82, %dma_wait3A_85] : memref<262144x16xi32, #tpu.memory_space<hbm>> -> memref<1024x16xi32, #tpu.memory_space<hbm>>
    tpu.wait_dma2 semaphore(%arg15 : memref<!tpu.dma_semaphore, #tpu.memory_space<semaphore_mem>>) src(%arg11 : memref<1024x16xi32, #tpu.memory_space<vmem>>) dst(%dma_wait3A_86 : memref<1024x16xi32, #tpu.memory_space<hbm>>)
    return
  }
}

</mosaic_0001>

<sc_bundles>
// kernel: kernel.3.cloned.1.call-start
scs
__scs_entry_jumppad:
0x0: {  	(pc) =	sbr.rel $0x88, $3  }
0x1: {  	(tag) =	ssettag $0x0;
	lr =	simm.s32 $0x1  }
0x2: {  	[smem:$0x3F9E] =	sst lr;
	_ =	strace $0xD0000000  }
0x3: {  	_ = 	snop  }
0x4: {  	_ = 	snop  }
0x5: {  	_ = 	snop  }
0x6: {  	_ = 	snop  }
0x7: {  	_ = 	snop  }
__scs_overlays_trampoline_lowered:
0x8: {  	[smem:$0x3FAD] =	sst s0  }
0x9: {  	[smem:$0x3FAE] =	sst s1  }
0xa: {  	[smem:$0x3FAF] =	sst s2  }
0xb: {  	[smem:$0x3FB0] =	sst s3  }
0xc: {  	[smem:$0x3FB1] =	sst s4  }
0xd: {  	[smem:$0x3FB2] =	sst s5  }
0xe: {  	[smem:$0x3FB3] =	sst s6  }
0xf: {  	[smem:$0x3FB4] =	sst s7  }
0x10: {  	[smem:$0x3FB5] =	sst s8  }
0x11: {  	[smem:$0x3FB6] =	sst s9;
	s0 =	simm.s32 @!p0 $0x0  }
0x12: {  	s1 =	sld [smem:$0x3F9C];
	s0 =	simm.s32 @p0 $0x1  }
0x13: {  	[smem:$0x3FB7] =	sst s0;
	s0 =	simm.s32 @!p1 $0x0  }
0x14: {  	s2 =	sld [smem:$0x3F9B];
	s0 =	simm.s32 @p1 $0x1  }
0x15: {  	[smem:$0x3FB8] =	sst s0;
	s0 =	simm.s32 @!p2 $0x0  }
0x16: {  	s3 =	sld [smem:$0x3FDB];
	s0 =	simm.s32 @p2 $0x1  }
0x17: {  	s4 =	simm.s32 $0x1BF5;
	[smem:$0x3FBA] =	sst s0  }
0x18: {  	s0 =	sld [smem:$0x3F9D];
	_ =	swait.ge [sflag:s4], $0x0  }
0x19: {  	s7 =	sld [smem:$0x3F9E]  }
0x1a: {  	s8 =	sadd.s32 $0xFFFFE003, lr  }
0x1b: {  	s9 =	sadd.s32 $0xFFFFFEF7, lr;
	s5 =	simm.s32 $0xFFFFFFFF;
	p2 =	slt.u32 s8, $0xFFFFF086  }
0x1c: {  	p1 =	slt.u32 s9, $0xF7A;
	s5 =	simm.s32 @!p2 $0x0  }
0x1d: {  	s5 =	simm.s32 @p1 $0x1;
	p0 =	seq.s32 s7, s2  }
0x1e: {  	s7 =	smul.u32 @!p0 $0xF7A, s2;
	p2 =	seq.s32 @!p0 s5, $0x0  }
0x1f: {  	s9 =	smul.u32 $0xF7A, s1;
	s8 =	simm.s32 @!p0 $0x1BF5;
	p2 =	por !p2, p0  }
0x20: {  	[sflag:s8] =	ssyncset.s32 @!p0 $0xFFFFF086;
	s6 =	sadd.s32 @!p0 s3, s7;
	s7 =	simm.s32 @!p0 $0x108  }
0x21: {  	s3 =	sadd.s32 s3, s9;
	s6 =	sadd.s32 @!p0 $0x88, s6;
	s7 =	simm.s32 @p2 $0x1082  }
0x22: {  	[simem:s7], [sflag:s8] =	dma.local @!p0 [hbm:s6], $0xF7A  }
0x23: {  	s9 =	sor.u32 $0xD0000000, s2;
	s6 =	simm.s32 $0x108;
	_ =	swait.ge @!p0 [sflag:s8], $0x0  }
0x24: {  	s3 =	sadd.s32 $0x88, s3;
	s6 =	simm.s32 @!p1 $0x1082;
	[sflag:s4] =	ssyncset.s32 $0xFFFFF086  }
0x25: {  	[simem:s6], [sflag:s4] =	dma.local [hbm:s3], $0xF7A  }
0x26: {  	[smem:$0x3F9E] =	sst s1;
	(tag) =	ssettag s2;
	_ =	strace s9  }
0x27: {  	s1 =	sld [smem:$0x3FAE]  }
0x28: {  	s2 =	sld [smem:$0x3FAF]  }
0x29: {  	s4 =	sld [smem:$0x3FB1]  }
0x2a: {  	p0 =	seq.s32 s5, $0x0;
	s5 =	sld [smem:$0x3FB2]  }
0x2b: {  	s6 =	sld [smem:$0x3FB3]  }
0x2c: {  	s7 =	sld [smem:$0x3FB4]  }
0x2d: {  	s3 =	simm.s32 $0x108;
	s8 =	sld [smem:$0x3FB5]  }
0x2e: {  	s3 =	simm.s32 @!p0 $0x1082;
	s9 =	sld [smem:$0x3FB6]  }
0x2f: {  	lr =	sadd.s32 s0, s3;
	s0 =	sld [smem:$0x3FAD]  }
0x30: {  	s3 =	sld [smem:$0x3FB0]  }
0x31: {  	[smem:$0x3FB9] =	sst s10  }
0x32: {  	s10 =	sld [smem:$0x3FB7];
	_ =	sdelay $0x3  }
0x33: {  	p0 =	seq.s32 s10, $0x1;
	s10 =	sld [smem:$0x3FB9];
	_ =	sdelay $0x3  }
0x34: {  	[smem:$0x3FB9] =	sst s10  }
0x35: {  	s10 =	sld [smem:$0x3FB8];
	_ =	sdelay $0x3  }
0x36: {  	p1 =	seq.s32 s10, $0x1;
	s10 =	sld [smem:$0x3FB9];
	_ =	sdelay $0x3  }
0x37: {  	[smem:$0x3FB9] =	sst s10  }
0x38: {  	s10 =	sld [smem:$0x3FBA]  }
0x39: {  	_ = 	snop;
	(pc) =	sbr.ind lr, $3  }
0x3a: {  	_ = 	snop  }
0x3b: {  	_ = 	snop  }
0x3c: {  	p2 =	seq.s32 s10, $0x1;
	s10 =	sld [smem:$0x3FB9]  }
0x3d: {  	_ =	shalt  }
0x3e: {  	_ =	shalt  }
0x3f: {  	_ =	shalt  }
0x40: {  	_ =	shalt  }
0x41: {  	_ =	shalt  }
0x42: {  	_ =	shalt  }
0x43: {  	_ =	shalt  }
0x44: {  	_ =	shalt  }
0x45: {  	_ =	shalt  }
0x46: {  	_ =	shalt  }
0x47: {  	_ =	shalt  }
0x48: {  	_ =	shalt  }
0x49: {  	_ =	shalt  }
0x4a: {  	_ =	shalt  }
0x4b: {  	_ =	shalt  }
0x4c: {  	_ =	shalt  }
0x4d: {  	_ =	shalt  }
0x4e: {  	_ =	shalt  }
0x4f: {  	_ =	shalt  }
0x50: {  	_ =	shalt  }
0x51: {  	_ =	shalt  }
0x52: {  	_ =	shalt  }
0x53: {  	_ =	shalt  }
0x54: {  	_ =	shalt  }
0x55: {  	_ =	shalt  }
0x56: {  	_ =	shalt  }
0x57: {  	_ =	shalt  }
0x58: {  	_ =	shalt  }
0x59: {  	_ =	shalt  }
0x5a: {  	_ =	shalt  }
0x5b: {  	_ =	shalt  }
0x5c: {  	_ =	shalt  }
0x5d: {  	_ =	shalt  }
0x5e: {  	_ =	shalt  }
0x5f: {  	_ =	shalt  }
0x60: {  	_ =	shalt  }
0x61: {  	_ =	shalt  }
0x62: {  	_ =	shalt  }
0x63: {  	_ =	shalt  }
0x64: {  	_ =	shalt  }
0x65: {  	_ =	shalt  }
0x66: {  	_ =	shalt  }
0x67: {  	_ =	shalt  }
0x68: {  	_ =	shalt  }
0x69: {  	_ =	shalt  }
0x6a: {  	_ =	shalt  }
0x6b: {  	_ =	shalt  }
0x6c: {  	_ =	shalt  }
0x6d: {  	_ =	shalt  }
0x6e: {  	_ =	shalt  }
0x6f: {  	_ =	shalt  }
0x70: {  	_ =	shalt  }
0x71: {  	_ =	shalt  }
0x72: {  	_ =	shalt  }
0x73: {  	_ =	shalt  }
0x74: {  	_ =	shalt  }
0x75: {  	_ =	shalt  }
0x76: {  	_ =	shalt  }
0x77: {  	_ =	shalt  }
0x78: {  	_ =	shalt  }
0x79: {  	_ =	shalt  }
0x7a: {  	_ =	shalt  }
0x7b: {  	_ =	shalt  }
0x7c: {  	_ =	shalt  }
0x7d: {  	_ =	shalt  }
0x7e: {  	_ =	shalt  }
0x7f: {  	_ =	shalt  }
0x80: {  	_ =	shalt  }
0x81: {  	_ =	shalt  }
0x82: {  	_ =	shalt  }
0x83: {  	_ =	shalt  }
0x84: {  	_ =	shalt  }
0x85: {  	_ =	shalt  }
0x86: {  	_ =	shalt  }
0x87: {  	_ =	shalt  }
.Lfunc_end0:
.L_simem_size_0:
called_computation_lowered:
.L_overlay_start_0:
0x88: {  	s2 =	sld [smem:$0x3FD9]  }
0x89: {  	s3 =	sld [smem:$0x3FFE];
	_ =	sdelay $0x1  }
0x8a: {  	s1 =	srdreg.scid  }
0x8b: {  	s0 =	sand.u32 $0x1, s1  }
0x8c: {  	s17 =	sshll.u32 s0, $0xA;
	s2 =	sadd.s32 s3, s2  }
0x8d: {  	s2 =	sadd.s32 s2, s17  }
0x8e: {  	[smem:$0x3FC5] =	sst s2  }
0x8f: {  	_ = 	snop  }
0x90: {  	s2 =	sld [smem:$0x3FD0];
	(tm) =	ssettm $0x1  }
0x91: {  	s18 =	sld [smem:$0x3FFB];
	_ =	sdelay $0x3  }
0x92: {  	_ =	strace s18  }
0x93: {  	s3 =	sld [smem:$0x3FFC];
	_ =	sdelay $0x3  }
0x94: {  	_ =	strace s3  }
0x95: {  	s3 =	sld [smem:$0x3FFD];
	_ =	sdelay $0x3  }
0x96: {  	_ =	strace s3  }
0x97: {  	_ =	strace $0x8FFFFFFF  }
0x98: {  	s19 =	sld [smem:$0x3FDB];
	_ =	sdelay $0x1  }
0x99: {  	s4 =	simm.s32 $_scs_section_size  }
0x9a: {  	s5 =	simm.s32 $_size__tile_overlayer_lowered;
	s6 =	simm.s32 $_tile_overlayer_lowered  }
0x9b: {  	s22 =	simm.s32 $0x1BFF;
	s21 =	sshll.u32 s6, $0x1;
	s3 =	sadd.s32 s4, s19  }
0x9c: {  	s7 =	simm.s32 $0x0;
	s20 =	sshll.u32 s5, $0x1;
	s5 =	sadd.s32 s21, s3  }
0x9d: {  	[timem:s7], [sflag:s22] =	dma.local [hbm:s5], s20  }
0x9e: {  	_ =	swait.ge [sflag:s22], s20  }
0x9f: {  	s4 =	ssub.s32 $0x0, s20;
	[sflag:s22] =	ssyncset.done $0x0  }
0xa0: {  	[sflag:s22] =	ssyncadd.s32 s4;
	_ =	sdelay $0x1  }
0xa1: {  	s23 =	simm.s32 $0x1B8B  }
0xa2: {  	_ =	swait.ge [sflag:s23], $0x1  }
0xa3: {  	[sflag:s23] =	ssyncset.done $0x0  }
0xa4: {  	s25 =	simm.s32 $0x1B8E;
	s24 =	sld [smem:$0x3FFE];
	[sflag:s23] =	ssyncadd.s32 $0xFFFFFFFF  }
0xa5: {  	s26 =	simm.s32 $execute0_lowered;
	[smem:$0x3FD2] =	sst s25  }
0xa6: {  	s5 =	sshll.u32 s26, $0x1;
	_ =	strace $0x80000046;
	[dreg:$0x1] =	wrdreg $0xFFFFFFFF  }
0xa7: {  	s28 =	simm.s32 $_size_execute0_lowered;
	s3 =	sadd.s32 s3, s5;
	[dreg:$0x0] =	wrdreg $0x0  }
0xa8: {  	s5 =	sshll.u32 s28, $0x1;
	[dreg:$0x2] =	wrdreg s3  }
0xa9: {  	[dreg:$0x3] =	wrdreg s5  }
0xaa: {  	[dreg:$0x4] =	wrdreg $0xC0  }
0xab: {  	_ =	task [dreg:s7], $0x5FFFF  }
0xac: {  	[dreg:$0x1] =	wrdreg $0xFFFFFFFF  }
0xad: {  	[dreg:$0x0] =	wrdreg $0x60  }
0xae: {  	[dreg:$0x2] =	wrdreg s24  }
0xaf: {  	[dreg:$0x3] =	wrdreg s2  }
0xb0: {  	[dreg:$0x4] =	wrdreg $0x9  }
0xb1: {  	_ =	task.clear_ibuf [dreg:s7], $0x5FFFF;
	_ =	strace $0x90000046  }
0xb2: {  	s29 =	simm.s32 $0x9;
	_ =	strace $0x80000048  }
0xb3: {  	_ =	swait.ge [sflag:s29], $0x1  }
0xb4: {  	[sflag:s29] =	ssyncadd.s32 $0xFFFFFFFF  }
0xb5: {  	_ =	strace $0x90000048  }
0xb6: {  	_ =	sfence  }
0xb7: {  	s30 =	sld [smem:$0x0];
	_ =	sdelay $0x2  }
0xb8: {  	s31 =	sshll.u32 s1, $0xD;
	s1 =	sshrl.u32 s1, $0x2  }
0xb9: {  	s3 =	sand.u32 $0x4000, s31;
	s1 =	sadd.s32 s1, s30  }
0xba: {  	s0 =	sor.u32 s3, s0;
	s1 =	sshll.u32 s1, $0x11  }
0xbb: {  	s0 =	sor.u32 s1, s0  }
0xbc: {  	s0 =	sadd.s32 $0x8F2B, s0  }
0xbd: {  	[sflag:s0] =	ssyncadd.remote.s32 $0x1  }
0xbe: {  	_ =	sfence.sel $0xFFFF  }
0xbf: {  	[dreg:$0x0] =	wrdreg $0xFFFFFFFF;
	(pc) =	sbr.abs _section_cstart, $3  }
0xc0: {  	[dreg:$0x1] =	wrdreg $0xFFFFFFFF  }
0xc1: {  	_ =	task.clear_ibuf [dreg:s7], $0x2FFFF;
	_ =	strace $0x9FFFFFFF  }
0xc2: {  	(tm) =	ssettm $0x7FFFFFFF  }
0xc3: {  	_ =	shalt  }
tec
execute0_lowered:
.L_overlay_start_1:
0x0: {  	(tag) =	ssettag $0x1  }
0x1: {  	s4 =	rddreg [dreg:$0x0]  }
0x2: {  	s6 =	rddreg [dreg:$0x1]  }
0x3: {  	s0 =	rddreg [dreg:$0x2];
	s3 =	srdreg.scid  }
0x4: {  	s1 =	stileid.u32;
	s2 =	simm.s32 $0x0;
	s10 =	simm.s32 $0x80  }
0x5: {  	s11 =	simm.s32 $0x100;
	s12 =	simm.s32 $0x8100;
	s13 =	simm.s32 $0x1  }
0x6: {  	s14 =	simm.s32 $0x10100;
	s15 =	simm.s32 $0x2;
	s16 =	simm.s32 $0x14100  }
0x7: {  	s17 =	simm.s32 $0x3;
	s18 =	simm.s32 $0x4;
	s19 =	simm.s32 $0x0  }
0x8: {  	s3 =	sand.u32 $0x1, s3;
	s5 =	sshll.u32 s1, $0x1;
	[smem:$0x7FF] =	sst s2  }
0x9: {  	s5 =	sor.u32 s3, s5;
	_ =	strace $0x80000047;
	s8 =	ssub.s32 $0x2, s3  }
0xa: {  	s3 =	sadd.s32 $0xA00, s4;
	s7 =	sshll.u32 s5, $0xF;
	s9 =	sshrl.u32 s8, $0x1  }
0xb: {  	s31 =	sshll.u32 s5, $0xE;
	s7 =	sadd.s32 s7, s4;
	s4 =	sadd.s32 $0x800, s4  }
0xc: {  	s8 =	ssub.s32 s8, s9;
	s6 =	sadd.s32 s6, s31;
	s9 =	simm.s32 $0x5  }
0xd: {  	s5 =	sadd.s32 $0x400800, s7;
	s7 =	sadd.s32 $0x402800, s7;
	s8 =	smax.u32 s8, $0x1  }
.LBB2_1:
0xe: {  	[tilespmem:s2], [sflag:$0x5] =	stream.linear.gather [hbm4b:s3+s2], $0x80, $0x38;
	[tilespmem:$0x18100] =	vst v63  }
0xf: {  	_ =	swait.ge [sflag:s9], $0x80  }
0x10: {  	[sflag:s9] =	ssyncset.done $0x0  }
0x11: {  	[sflag:s9] =	ssyncadd.s32 $0xFFFFFF80  }
0x12: {  	[tilespmem:s10], [sflag:$0x5] =	stream.linear.gather [hbm4b:s4+s2], $0x80, $0x38;
	[tilespmem:$0x18100] =	vst v63  }
0x13: {  	_ =	swait.ge [sflag:s9], $0x80  }
0x14: {  	[sflag:s9] =	ssyncset.done $0x0  }
0x15: {  	[sflag:s9] =	ssyncadd.s32 $0xFFFFFF80  }
0x16: {  	v0 =	vld [tilespmem:$0x0]  }
0x17: {  	v1 =	vld [tilespmem:$0x10]  }
0x18: {  	v2 =	vld [tilespmem:$0x20]  }
0x19: {  	v3 =	vld [tilespmem:$0x30]  }
0x1a: {  	v4 =	vld [tilespmem:$0x40]  }
0x1b: {  	v5 =	vld [tilespmem:$0x50]  }
0x1c: {  	v6 =	vld [tilespmem:$0x60]  }
0x1d: {  	v7 =	vld [tilespmem:$0x70]  }
0x1e: {  	v8 =	vld [tilespmem:$0x80]  }
0x1f: {  	v9 =	vld [tilespmem:$0x90]  }
0x20: {  	v10 =	vld [tilespmem:$0xA0]  }
0x21: {  	v11 =	vld [tilespmem:$0xB0]  }
0x22: {  	v12 =	vld [tilespmem:$0xC0]  }
0x23: {  	v13 =	vld [tilespmem:$0xD0]  }
0x24: {  	s20 =	simm.s32 $0x0;
	v14 =	vld [tilespmem:$0xE0]  }
0x25: {  	v15 =	vld [tilespmem:$0xF0];
	[tilespmem:s11], [sflag:$0x1] =	stream.linear.gather [hbm4b:s5+s2], $0x8000, $0x38  }
.LBB2_2:
0x26: {  	s21 =	sshllo.u32 s20, $0x1  }
0x27: {  	s22 =	sshll.u32 s21, $0xC  }
0x28: {  	s22 =	sadd.s32 s22, s5  }
0x29: {  	[tilespmem:s12], [sflag:$0x2] =	stream.linear.gather [hbm4b:s22+s2], $0x8000, $0x38;
	[tilespmem:$0x18100] =	vst v63  }
0x2a: {  	s31 =	simm.s32 $0x0;
	_ =	swait.ge [sflag:s13], $0x8000  }
0x2b: {  	p0 =	seq.s32 s20, $0x0;
	v16 =	vadd.s32 s31, v1;
	[sflag:s13] =	ssyncset.done $0x0  }
0x2c: {  	s23 =	simm.s32 @!p0 $0x3;
	v17 =	vadd.s32 s31, v0;
	[sflag:s13] =	ssyncadd.s32 $0xFFFF8000  }
0x2d: {  	v18 =	vadd.s32 s31, v2;
	_ =	swait.ge @!p0 [sflag:s23], $0x4000  }
0x2e: {  	v19 =	vadd.s32 s31, v3;
	[sflag:s23] =	ssyncset.done @!p0 $0x0  }
0x2f: {  	v20 =	vadd.s32 s31, v4;
	[sflag:s23] =	ssyncadd.s32 @!p0 $0xFFFFC000  }
0x30: {  	v21 =	vadd.s32 s31, v5;
	v16 =	vld.idx.msk [tilespmem:v16+s11+$0x0], $0xffff  }
0x31: {  	v22 =	vadd.s32 s31, v6;
	v17 =	vld.idx.msk [tilespmem:v17+s11+$0x0], $0xffff  }
0x32: {  	v23 =	vadd.s32 s31, v7;
	v18 =	vld.idx.msk [tilespmem:v18+s11+$0x0], $0xffff  }
0x33: {  	v19 =	vld.idx.msk [tilespmem:v19+s11+$0x0], $0xffff  }
0x34: {  	v20 =	vld.idx.msk [tilespmem:v20+s11+$0x0], $0xffff  }
0x35: {  	v21 =	vld.idx.msk [tilespmem:v21+s11+$0x0], $0xffff  }
0x36: {  	v22 =	vld.idx.msk [tilespmem:v22+s11+$0x0], $0xffff;
	v17 =	vmul.u32 v8, v17;
	v16 =	vmul.u32 v9, v16  }
0x37: {  	v23 =	vld.idx.msk [tilespmem:v23+s11+$0x0], $0xffff;
	v18 =	vmul.u32 v10, v18  }
0x38: {  	v16 =	vadd.s32 v17, v16;
	v17 =	vmul.u32 v11, v19  }
0x39: {  	v16 =	vadd.s32 v18, v16;
	v18 =	vmul.u32 v12, v20  }
0x3a: {  	v16 =	vadd.s32 v17, v16;
	v17 =	vmul.u32 v13, v21  }
0x3b: {  	s24 =	simm.s32 $0x20;
	v16 =	vadd.s32 v18, v16;
	v18 =	vmul.u32 v14, v22  }
0x3c: {  	v19 =	vadd.s32 s24, v0;
	v16 =	vadd.s32 v17, v16;
	v17 =	vmul.u32 v15, v23  }
0x3d: {  	v16 =	vadd.s32 v18, v16;
	v18 =	vadd.s32 s24, v1  }
0x3e: {  	v16 =	vadd.s32 v17, v16;
	v17 =	vadd.s32 s24, v2  }
0x3f: {  	s22 =	simm.s32 $0x10140;
	v20 =	vadd.s32 s24, v3;
	v16 =	vand.u32 $0x1, v16  }
0x40: {  	[tilespmem:s22+$0xFFFFFFC0] =	vst v16;
	v16 =	vadd.s32 s24, v4  }
0x41: {  	v21 =	vadd.s32 s24, v5;
	v19 =	vld.idx.msk [tilespmem:v19+s11+$0x0], $0xffff  }
0x42: {  	v22 =	vadd.s32 s24, v6;
	v18 =	vld.idx.msk [tilespmem:v18+s11+$0x0], $0xffff  }
0x43: {  	v23 =	vadd.s32 s24, v7;
	v17 =	vld.idx.msk [tilespmem:v17+s11+$0x0], $0xffff  }
0x44: {  	v20 =	vld.idx.msk [tilespmem:v20+s11+$0x0], $0xffff  }
0x45: {  	v16 =	vld.idx.msk [tilespmem:v16+s11+$0x0], $0xffff  }
0x46: {  	v21 =	vld.idx.msk [tilespmem:v21+s11+$0x0], $0xffff  }
0x47: {  	v22 =	vld.idx.msk [tilespmem:v22+s11+$0x0], $0xffff;
	v19 =	vmul.u32 v8, v19;
	v18 =	vmul.u32 v9, v18  }
0x48: {  	v23 =	vld.idx.msk [tilespmem:v23+s11+$0x0], $0xffff;
	v17 =	vmul.u32 v10, v17  }
0x49: {  	v18 =	vadd.s32 v19, v18;
	v19 =	vmul.u32 v11, v20  }
0x4a: {  	v17 =	vadd.s32 v17, v18;
	v16 =	vmul.u32 v12, v16  }
0x4b: {  	v18 =	vmul.u32 v13, v21;
	v17 =	vadd.s32 v19, v17  }
0x4c: {  	s25 =	simm.s32 $0x40;
	v16 =	vadd.s32 v16, v17;
	v17 =	vmul.u32 v14, v22  }
0x4d: {  	v19 =	vadd.s32 s25, v0;
	v16 =	vadd.s32 v18, v16;
	v18 =	vmul.u32 v15, v23  }
0x4e: {  	v16 =	vadd.s32 v17, v16;
	v17 =	vadd.s32 s25, v1  }
0x4f: {  	v16 =	vadd.s32 v18, v16;
	v18 =	vadd.s32 s25, v2  }
0x50: {  	v20 =	vadd.s32 s25, v3;
	v16 =	vand.u32 $0x1, v16  }
0x51: {  	[tilespmem:s22+$0xFFFFFFD0] =	vst v16;
	v16 =	vadd.s32 s25, v4  }
0x52: {  	v21 =	vadd.s32 s25, v5;
	v19 =	vld.idx.msk [tilespmem:v19+s11+$0x0], $0xffff  }
0x53: {  	v22 =	vadd.s32 s25, v6;
	v17 =	vld.idx.msk [tilespmem:v17+s11+$0x0], $0xffff  }
0x54: {  	v23 =	vadd.s32 s25, v7;
	v18 =	vld.idx.msk [tilespmem:v18+s11+$0x0], $0xffff  }
0x55: {  	v20 =	vld.idx.msk [tilespmem:v20+s11+$0x0], $0xffff  }
0x56: {  	v16 =	vld.idx.msk [tilespmem:v16+s11+$0x0], $0xffff  }
0x57: {  	v21 =	vld.idx.msk [tilespmem:v21+s11+$0x0], $0xffff  }
0x58: {  	v22 =	vld.idx.msk [tilespmem:v22+s11+$0x0], $0xffff;
	v19 =	vmul.u32 v8, v19;
	v17 =	vmul.u32 v9, v17  }
0x59: {  	v23 =	vld.idx.msk [tilespmem:v23+s11+$0x0], $0xffff;
	v18 =	vmul.u32 v10, v18  }
0x5a: {  	v17 =	vadd.s32 v19, v17;
	v19 =	vmul.u32 v11, v20  }
0x5b: {  	v17 =	vadd.s32 v18, v17;
	v16 =	vmul.u32 v12, v16  }
0x5c: {  	v18 =	vmul.u32 v13, v21;
	v17 =	vadd.s32 v19, v17  }
0x5d: {  	s26 =	simm.s32 $0x60;
	v16 =	vadd.s32 v16, v17;
	v17 =	vmul.u32 v14, v22  }
0x5e: {  	v19 =	vadd.s32 s26, v0;
	v16 =	vadd.s32 v18, v16;
	v18 =	vmul.u32 v15, v23  }
0x5f: {  	v16 =	vadd.s32 v17, v16;
	v17 =	vadd.s32 s26, v1  }
0x60: {  	v16 =	vadd.s32 v18, v16;
	v18 =	vadd.s32 s26, v2  }
0x61: {  	v20 =	vadd.s32 s26, v3;
	v16 =	vand.u32 $0x1, v16  }
0x62: {  	[tilespmem:s22+$0xFFFFFFE0] =	vst v16;
	v16 =	vadd.s32 s26, v4  }
0x63: {  	v21 =	vadd.s32 s26, v5;
	v19 =	vld.idx.msk [tilespmem:v19+s11+$0x0], $0xffff  }
0x64: {  	v22 =	vadd.s32 s26, v6;
	v17 =	vld.idx.msk [tilespmem:v17+s11+$0x0], $0xffff  }
0x65: {  	v23 =	vadd.s32 s26, v7;
	v18 =	vld.idx.msk [tilespmem:v18+s11+$0x0], $0xffff  }
0x66: {  	v20 =	vld.idx.msk [tilespmem:v20+s11+$0x0], $0xffff  }
0x67: {  	v16 =	vld.idx.msk [tilespmem:v16+s11+$0x0], $0xffff  }
0x68: {  	v21 =	vld.idx.msk [tilespmem:v21+s11+$0x0], $0xffff  }
0x69: {  	v22 =	vld.idx.msk [tilespmem:v22+s11+$0x0], $0xffff;
	v19 =	vmul.u32 v8, v19;
	v17 =	vmul.u32 v9, v17  }
0x6a: {  	v23 =	vld.idx.msk [tilespmem:v23+s11+$0x0], $0xffff;
	v18 =	vmul.u32 v10, v18  }
0x6b: {  	v17 =	vadd.s32 v19, v17;
	v19 =	vmul.u32 v11, v20  }
0x6c: {  	v17 =	vadd.s32 v18, v17;
	v16 =	vmul.u32 v12, v16  }
0x6d: {  	v18 =	vmul.u32 v13, v21;
	v17 =	vadd.s32 v19, v17  }
0x6e: {  	s28 =	simm.s32 $0x80;
	v16 =	vadd.s32 v16, v17;
	v17 =	vmul.u32 v14, v22  }
0x6f: {  	v19 =	vadd.s32 s28, v0;
	v16 =	vadd.s32 v18, v16;
	v18 =	vmul.u32 v15, v23  }
0x70: {  	v16 =	vadd.s32 v17, v16;
	v17 =	vadd.s32 s28, v1  }
0x71: {  	v16 =	vadd.s32 v18, v16;
	v18 =	vadd.s32 s28, v2  }
0x72: {  	v20 =	vadd.s32 s28, v3;
	v16 =	vand.u32 $0x1, v16  }
0x73: {  	[tilespmem:s22+$0xFFFFFFF0] =	vst v16;
	v16 =	vadd.s32 s28, v4  }
0x74: {  	v21 =	vadd.s32 s28, v5;
	v19 =	vld.idx.msk [tilespmem:v19+s11+$0x0], $0xffff  }
0x75: {  	v22 =	vadd.s32 s28, v6;
	v17 =	vld.idx.msk [tilespmem:v17+s11+$0x0], $0xffff  }
0x76: {  	v23 =	vadd.s32 s28, v7;
	v18 =	vld.idx.msk [tilespmem:v18+s11+$0x0], $0xffff  }
0x77: {  	v20 =	vld.idx.msk [tilespmem:v20+s11+$0x0], $0xffff  }
0x78: {  	v16 =	vld.idx.msk [tilespmem:v16+s11+$0x0], $0xffff  }
0x79: {  	v21 =	vld.idx.msk [tilespmem:v21+s11+$0x0], $0xffff  }
0x7a: {  	v22 =	vld.idx.msk [tilespmem:v22+s11+$0x0], $0xffff;
	v19 =	vmul.u32 v8, v19;
	v17 =	vmul.u32 v9, v17  }
0x7b: {  	v23 =	vld.idx.msk [tilespmem:v23+s11+$0x0], $0xffff;
	v18 =	vmul.u32 v10, v18  }
0x7c: {  	v17 =	vadd.s32 v19, v17;
	v19 =	vmul.u32 v11, v20  }
0x7d: {  	v17 =	vadd.s32 v18, v17;
	v16 =	vmul.u32 v12, v16  }
0x7e: {  	v18 =	vmul.u32 v13, v21;
	v17 =	vadd.s32 v19, v17  }
0x7f: {  	s29 =	simm.s32 $0xA0;
	v16 =	vadd.s32 v16, v17;
	v17 =	vmul.u32 v14, v22  }
0x80: {  	v19 =	vadd.s32 s29, v0;
	v16 =	vadd.s32 v18, v16;
	v18 =	vmul.u32 v15, v23  }
0x81: {  	v16 =	vadd.s32 v17, v16;
	v17 =	vadd.s32 s29, v1  }
0x82: {  	v16 =	vadd.s32 v18, v16;
	v18 =	vadd.s32 s29, v2  }
0x83: {  	v20 =	vadd.s32 s29, v3;
	v16 =	vand.u32 $0x1, v16  }
0x84: {  	[tilespmem:s22+$0x0] =	vst v16;
	v16 =	vadd.s32 s29, v4  }
0x85: {  	v21 =	vadd.s32 s29, v5;
	v19 =	vld.idx.msk [tilespmem:v19+s11+$0x0], $0xffff  }
0x86: {  	v22 =	vadd.s32 s29, v6;
	v17 =	vld.idx.msk [tilespmem:v17+s11+$0x0], $0xffff  }
0x87: {  	v23 =	vadd.s32 s29, v7;
	v18 =	vld.idx.msk [tilespmem:v18+s11+$0x0], $0xffff  }
0x88: {  	v20 =	vld.idx.msk [tilespmem:v20+s11+$0x0], $0xffff  }
0x89: {  	v16 =	vld.idx.msk [tilespmem:v16+s11+$0x0], $0xffff  }
0x8a: {  	v21 =	vld.idx.msk [tilespmem:v21+s11+$0x0], $0xffff  }
0x8b: {  	v22 =	vld.idx.msk [tilespmem:v22+s11+$0x0], $0xffff;
	v19 =	vmul.u32 v8, v19;
	v17 =	vmul.u32 v9, v17  }
0x8c: {  	v23 =	vld.idx.msk [tilespmem:v23+s11+$0x0], $0xffff;
	v18 =	vmul.u32 v10, v18  }
0x8d: {  	v17 =	vadd.s32 v19, v17;
	v19 =	vmul.u32 v11, v20  }
0x8e: {  	v17 =	vadd.s32 v18, v17;
	v16 =	vmul.u32 v12, v16  }
0x8f: {  	v18 =	vmul.u32 v13, v21;
	v17 =	vadd.s32 v19, v17  }
0x90: {  	s30 =	simm.s32 $0xC0;
	v16 =	vadd.s32 v16, v17;
	v17 =	vmul.u32 v14, v22  }
0x91: {  	v19 =	vadd.s32 s30, v0;
	v16 =	vadd.s32 v18, v16;
	v18 =	vmul.u32 v15, v23  }
0x92: {  	v16 =	vadd.s32 v17, v16;
	v17 =	vadd.s32 s30, v1  }
0x93: {  	v16 =	vadd.s32 v18, v16;
	v18 =	vadd.s32 s30, v2  }
0x94: {  	v20 =	vadd.s32 s30, v3;
	v16 =	vand.u32 $0x1, v16  }
0x95: {  	[tilespmem:s22+$0x10] =	vst v16;
	v16 =	vadd.s32 s30, v4  }
0x96: {  	v21 =	vadd.s32 s30, v5;
	v19 =	vld.idx.msk [tilespmem:v19+s11+$0x0], $0xffff  }
0x97: {  	v22 =	vadd.s32 s30, v6;
	v17 =	vld.idx.msk [tilespmem:v17+s11+$0x0], $0xffff  }
0x98: {  	v23 =	vadd.s32 s30, v7;
	v18 =	vld.idx.msk [tilespmem:v18+s11+$0x0], $0xffff  }
0x99: {  	v20 =	vld.idx.msk [tilespmem:v20+s11+$0x0], $0xffff  }
0x9a: {  	v16 =	vld.idx.msk [tilespmem:v16+s11+$0x0], $0xffff  }
0x9b: {  	v21 =	vld.idx.msk [tilespmem:v21+s11+$0x0], $0xffff  }
0x9c: {  	v22 =	vld.idx.msk [tilespmem:v22+s11+$0x0], $0xffff;
	v19 =	vmul.u32 v8, v19;
	v17 =	vmul.u32 v9, v17  }
0x9d: {  	v23 =	vld.idx.msk [tilespmem:v23+s11+$0x0], $0xffff;
	v18 =	vmul.u32 v10, v18  }
0x9e: {  	v17 =	vadd.s32 v19, v17;
	v19 =	vmul.u32 v11, v20  }
0x9f: {  	v17 =	vadd.s32 v18, v17;
	v16 =	vmul.u32 v12, v16  }
0xa0: {  	v18 =	vmul.u32 v13, v21;
	v17 =	vadd.s32 v19, v17  }
0xa1: {  	s31 =	simm.s32 $0xE0;
	v19 =	vmul.u32 v14, v22;
	v16 =	vadd.s32 v16, v17  }
0xa2: {  	v17 =	vmul.u32 v15, v23;
	v16 =	vadd.s32 v18, v16;
	v18 =	vadd.s32 s31, v0  }
0xa3: {  	v16 =	vadd.s32 v19, v16;
	v19 =	vadd.s32 s31, v1  }
0xa4: {  	v22 =	vadd.s32 s31, v3;
	v16 =	vadd.s32 v17, v16  }
0xa5: {  	v17 =	vadd.s32 s31, v2;
	v16 =	vand.u32 $0x1, v16  }
0xa6: {  	[tilespmem:s22+$0x20] =	vst v16;
	v16 =	vadd.s32 s31, v4  }
0xa7: {  	v23 =	vadd.s32 s31, v5;
	v18 =	vld.idx.msk [tilespmem:v18+s11+$0x0], $0xffff  }
0xa8: {  	v24 =	vadd.s32 s31, v6;
	v21 =	vld.idx.msk [tilespmem:v19+s11+$0x0], $0xffff  }
0xa9: {  	v19 =	vld.idx.msk [tilespmem:v22+s11+$0x0], $0xffff  }
0xaa: {  	v22 =	vadd.s32 s31, v7;
	v20 =	vld.idx.msk [tilespmem:v17+s11+$0x0], $0xffff  }
0xab: {  	v17 =	vld.idx.msk [tilespmem:v16+s11+$0x0], $0xffff  }
0xac: {  	v16 =	vld.idx.msk [tilespmem:v23+s11+$0x0], $0xffff  }
0xad: {  	s23 =	simm.s32 $0x10140;
	s24 =	simm.s32 $0x100;
	v23 =	vmul.u32 v8, v18;
	v18 =	vld.idx.msk [tilespmem:v24+s11+$0x0], $0xffff  }
.LBB2_3:
0xae: {  	p1 =	sne.s32 s24, $0x7F00  }
0xaf: {  	v21 =	vmul.u32 v9, v21;
	v22 =	vld.idx.msk [tilespmem:v22+s11+$0x0], $0xffff;
	s22 =	sadd.s32 $0x80, s22;
	s25 =	smov.u32 s24;
	s24 =	sadd.s32 $0x100, s24  }
0xb0: {  	v20 =	vmul.u32 v10, v20  }
0xb1: {  	v19 =	vmul.u32 v11, v19;
	v21 =	vadd.s32 v23, v21  }
0xb2: {  	v17 =	vmul.u32 v12, v17;
	v20 =	vadd.s32 v20, v21  }
0xb3: {  	v16 =	vmul.u32 v13, v16;
	v19 =	vadd.s32 v19, v20  }
0xb4: {  	v18 =	vmul.u32 v14, v18;
	v17 =	vadd.s32 v17, v19  }
0xb5: {  	v16 =	vadd.s32 v16, v17  }
0xb6: {  	v17 =	vmul.u32 v15, v22;
	v16 =	vadd.s32 v18, v16  }
0xb7: {  	v20 =	vadd.s32 s25, v2;
	v19 =	vadd.s32 s25, v1;
	v18 =	vadd.s32 s25, v0  }
0xb8: {  	v16 =	vadd.s32 v17, v16  }
0xb9: {  	v16 =	vand.u32 $0x1, v16  }
0xba: {  	[tilespmem:s23+$0x30] =	vst v16;
	s23 =	smov.u32 s22  }
0xbb: {  	v16 =	vadd.s32 s25, v3  }
0xbc: {  	v17 =	vld.idx.msk [tilespmem:v20+s11+$0x0], $0xffff;
	v20 =	vadd.s32 s25, v4  }
0xbd: {  	v21 =	vadd.s32 s25, v5;
	v19 =	vld.idx.msk [tilespmem:v19+s11+$0x0], $0xffff  }
0xbe: {  	v22 =	vadd.s32 s25, v6;
	v18 =	vld.idx.msk [tilespmem:v18+s11+$0x0], $0xffff  }
0xbf: {  	v23 =	vadd.s32 s25, v7  }
0xc0: {  	v16 =	vld.idx.msk [tilespmem:v16+s11+$0x0], $0xffff  }
0xc1: {  	v20 =	vld.idx.msk [tilespmem:v20+s11+$0x0], $0xffff  }
0xc2: {  	v21 =	vld.idx.msk [tilespmem:v21+s11+$0x0], $0xffff  }
0xc3: {  	v17 =	vmul.u32 v10, v17;
	v22 =	vld.idx.msk [tilespmem:v22+s11+$0x0], $0xffff  }
0xc4: {  	v19 =	vmul.u32 v9, v19;
	v18 =	vmul.u32 v8, v18;
	v23 =	vld.idx.msk [tilespmem:v23+s11+$0x0], $0xffff;
	_ =	sdelay $0x1  }
0xc5: {  	v18 =	vadd.s32 v18, v19;
	v16 =	vmul.u32 v11, v16  }
0xc6: {  	v17 =	vadd.s32 v17, v18;
	v18 =	vmul.u32 v12, v20  }
0xc7: {  	v16 =	vadd.s32 v16, v17;
	v17 =	vmul.u32 v13, v21  }
0xc8: {  	s26 =	sadd.s32 $0x20, s25;
	v16 =	vadd.s32 v18, v16;
	v18 =	vmul.u32 v14, v22  }
0xc9: {  	v19 =	vadd.s32 s26, v0;
	v16 =	vadd.s32 v17, v16;
	v17 =	vmul.u32 v15, v23  }
0xca: {  	v16 =	vadd.s32 v18, v16;
	v18 =	vadd.s32 s26, v1  }
0xcb: {  	v16 =	vadd.s32 v17, v16;
	v17 =	vadd.s32 s26, v2  }
0xcc: {  	v20 =	vadd.s32 s26, v3;
	v16 =	vand.u32 $0x1, v16  }
0xcd: {  	[tilespmem:s22+$0xFFFFFFC0] =	vst v16;
	v16 =	vadd.s32 s26, v4  }
0xce: {  	v21 =	vadd.s32 s26, v5;
	v19 =	vld.idx.msk [tilespmem:v19+s11+$0x0], $0xffff  }
0xcf: {  	v22 =	vadd.s32 s26, v6;
	v18 =	vld.idx.msk [tilespmem:v18+s11+$0x0], $0xffff  }
0xd0: {  	v23 =	vadd.s32 s26, v7;
	v17 =	vld.idx.msk [tilespmem:v17+s11+$0x0], $0xffff  }
0xd1: {  	v20 =	vld.idx.msk [tilespmem:v20+s11+$0x0], $0xffff  }
0xd2: {  	v16 =	vld.idx.msk [tilespmem:v16+s11+$0x0], $0xffff  }
0xd3: {  	v21 =	vld.idx.msk [tilespmem:v21+s11+$0x0], $0xffff  }
0xd4: {  	v22 =	vld.idx.msk [tilespmem:v22+s11+$0x0], $0xffff  }
0xd5: {  	v19 =	vmul.u32 v8, v19;
	v18 =	vmul.u32 v9, v18;
	v23 =	vld.idx.msk [tilespmem:v23+s11+$0x0], $0xffff  }
0xd6: {  	v17 =	vmul.u32 v10, v17  }
0xd7: {  	v18 =	vadd.s32 v19, v18;
	v19 =	vmul.u32 v11, v20  }
0xd8: {  	v17 =	vadd.s32 v17, v18;
	v16 =	vmul.u32 v12, v16  }
0xd9: {  	v17 =	vadd.s32 v19, v17;
	v18 =	vmul.u32 v13, v21  }
0xda: {  	s26 =	sadd.s32 $0x40, s25;
	v16 =	vadd.s32 v16, v17;
	v17 =	vmul.u32 v14, v22  }
0xdb: {  	v19 =	vadd.s32 s26, v0;
	v16 =	vadd.s32 v18, v16;
	v18 =	vmul.u32 v15, v23  }
0xdc: {  	v16 =	vadd.s32 v17, v16;
	v17 =	vadd.s32 s26, v1  }
0xdd: {  	v16 =	vadd.s32 v18, v16;
	v18 =	vadd.s32 s26, v2  }
0xde: {  	v20 =	vadd.s32 s26, v3;
	v16 =	vand.u32 $0x1, v16  }
0xdf: {  	[tilespmem:s22+$0xFFFFFFD0] =	vst v16;
	v16 =	vadd.s32 s26, v4  }
0xe0: {  	v21 =	vadd.s32 s26, v5;
	v19 =	vld.idx.msk [tilespmem:v19+s11+$0x0], $0xffff  }
0xe1: {  	v22 =	vadd.s32 s26, v6;
	v17 =	vld.idx.msk [tilespmem:v17+s11+$0x0], $0xffff  }
0xe2: {  	v23 =	vadd.s32 s26, v7;
	v18 =	vld.idx.msk [tilespmem:v18+s11+$0x0], $0xffff  }
0xe3: {  	v20 =	vld.idx.msk [tilespmem:v20+s11+$0x0], $0xffff  }
0xe4: {  	v16 =	vld.idx.msk [tilespmem:v16+s11+$0x0], $0xffff  }
0xe5: {  	v21 =	vld.idx.msk [tilespmem:v21+s11+$0x0], $0xffff  }
0xe6: {  	v19 =	vmul.u32 v8, v19;
	v22 =	vld.idx.msk [tilespmem:v22+s11+$0x0], $0xffff  }
0xe7: {  	v17 =	vmul.u32 v9, v17;
	v23 =	vld.idx.msk [tilespmem:v23+s11+$0x0], $0xffff  }
0xe8: {  	v18 =	vmul.u32 v10, v18  }
0xe9: {  	v17 =	vadd.s32 v19, v17;
	v19 =	vmul.u32 v11, v20  }
0xea: {  	v17 =	vadd.s32 v18, v17;
	v16 =	vmul.u32 v12, v16  }
0xeb: {  	v17 =	vadd.s32 v19, v17;
	v18 =	vmul.u32 v13, v21  }
0xec: {  	s26 =	sadd.s32 $0x60, s25;
	v16 =	vadd.s32 v16, v17;
	v17 =	vmul.u32 v14, v22  }
0xed: {  	v19 =	vadd.s32 s26, v0;
	v16 =	vadd.s32 v18, v16;
	v18 =	vmul.u32 v15, v23  }
0xee: {  	v16 =	vadd.s32 v17, v16;
	v17 =	vadd.s32 s26, v1  }
0xef: {  	v16 =	vadd.s32 v18, v16;
	v18 =	vadd.s32 s26, v2  }
0xf0: {  	v20 =	vadd.s32 s26, v3;
	v16 =	vand.u32 $0x1, v16  }
0xf1: {  	[tilespmem:s22+$0xFFFFFFE0] =	vst v16;
	v16 =	vadd.s32 s26, v4  }
0xf2: {  	v21 =	vadd.s32 s26, v5;
	v19 =	vld.idx.msk [tilespmem:v19+s11+$0x0], $0xffff  }
0xf3: {  	v22 =	vadd.s32 s26, v6;
	v17 =	vld.idx.msk [tilespmem:v17+s11+$0x0], $0xffff  }
0xf4: {  	v23 =	vadd.s32 s26, v7;
	v18 =	vld.idx.msk [tilespmem:v18+s11+$0x0], $0xffff  }
0xf5: {  	v20 =	vld.idx.msk [tilespmem:v20+s11+$0x0], $0xffff  }
0xf6: {  	v16 =	vld.idx.msk [tilespmem:v16+s11+$0x0], $0xffff  }
0xf7: {  	v21 =	vld.idx.msk [tilespmem:v21+s11+$0x0], $0xffff  }
0xf8: {  	v19 =	vmul.u32 v8, v19;
	v22 =	vld.idx.msk [tilespmem:v22+s11+$0x0], $0xffff  }
0xf9: {  	v17 =	vmul.u32 v9, v17;
	v23 =	vld.idx.msk [tilespmem:v23+s11+$0x0], $0xffff  }
0xfa: {  	v18 =	vmul.u32 v10, v18  }
0xfb: {  	v17 =	vadd.s32 v19, v17;
	v19 =	vmul.u32 v11, v20  }
0xfc: {  	v17 =	vadd.s32 v18, v17;
	v16 =	vmul.u32 v12, v16  }
0xfd: {  	v17 =	vadd.s32 v19, v17;
	v18 =	vmul.u32 v13, v21  }
0xfe: {  	s26 =	sadd.s32 $0x80, s25;
	v16 =	vadd.s32 v16, v17;
	v17 =	vmul.u32 v14, v22  }
0xff: {  	v19 =	vadd.s32 s26, v0;
	v16 =	vadd.s32 v18, v16;
	v18 =	vmul.u32 v15, v23  }
0x100: {  	v16 =	vadd.s32 v17, v16;
	v17 =	vadd.s32 s26, v1  }
0x101: {  	v16 =	vadd.s32 v18, v16;
	v18 =	vadd.s32 s26, v2  }
0x102: {  	v20 =	vadd.s32 s26, v3;
	v16 =	vand.u32 $0x1, v16  }
0x103: {  	[tilespmem:s22+$0xFFFFFFF0] =	vst v16;
	v16 =	vadd.s32 s26, v4  }
0x104: {  	v21 =	vadd.s32 s26, v5;
	v19 =	vld.idx.msk [tilespmem:v19+s11+$0x0], $0xffff  }
0x105: {  	v22 =	vadd.s32 s26, v6;
	v17 =	vld.idx.msk [tilespmem:v17+s11+$0x0], $0xffff  }
0x106: {  	v23 =	vadd.s32 s26, v7;
	v18 =	vld.idx.msk [tilespmem:v18+s11+$0x0], $0xffff  }
0x107: {  	v20 =	vld.idx.msk [tilespmem:v20+s11+$0x0], $0xffff  }
0x108: {  	v16 =	vld.idx.msk [tilespmem:v16+s11+$0x0], $0xffff  }
0x109: {  	v21 =	vld.idx.msk [tilespmem:v21+s11+$0x0], $0xffff  }
0x10a: {  	v19 =	vmul.u32 v8, v19;
	v22 =	vld.idx.msk [tilespmem:v22+s11+$0x0], $0xffff  }
0x10b: {  	v17 =	vmul.u32 v9, v17;
	v23 =	vld.idx.msk [tilespmem:v23+s11+$0x0], $0xffff  }
0x10c: {  	v18 =	vmul.u32 v10, v18  }
0x10d: {  	v17 =	vadd.s32 v19, v17;
	v19 =	vmul.u32 v11, v20  }
0x10e: {  	v17 =	vadd.s32 v18, v17;
	v16 =	vmul.u32 v12, v16  }
0x10f: {  	v17 =	vadd.s32 v19, v17;
	v18 =	vmul.u32 v13, v21  }
0x110: {  	s26 =	sadd.s32 $0xA0, s25;
	v16 =	vadd.s32 v16, v17;
	v17 =	vmul.u32 v14, v22  }
0x111: {  	v19 =	vadd.s32 s26, v0;
	v16 =	vadd.s32 v18, v16;
	v18 =	vmul.u32 v15, v23  }
0x112: {  	v16 =	vadd.s32 v17, v16;
	v17 =	vadd.s32 s26, v1  }
0x113: {  	v16 =	vadd.s32 v18, v16;
	v18 =	vadd.s32 s26, v2  }
0x114: {  	v20 =	vadd.s32 s26, v3;
	v16 =	vand.u32 $0x1, v16  }
0x115: {  	[tilespmem:s22+$0x0] =	vst v16;
	v16 =	vadd.s32 s26, v4  }
0x116: {  	v21 =	vadd.s32 s26, v5;
	v19 =	vld.idx.msk [tilespmem:v19+s11+$0x0], $0xffff  }
0x117: {  	v22 =	vadd.s32 s26, v6;
	v17 =	vld.idx.msk [tilespmem:v17+s11+$0x0], $0xffff  }
0x118: {  	v23 =	vadd.s32 s26, v7;
	v18 =	vld.idx.msk [tilespmem:v18+s11+$0x0], $0xffff  }
0x119: {  	v20 =	vld.idx.msk [tilespmem:v20+s11+$0x0], $0xffff  }
0x11a: {  	v16 =	vld.idx.msk [tilespmem:v16+s11+$0x0], $0xffff  }
0x11b: {  	v21 =	vld.idx.msk [tilespmem:v21+s11+$0x0], $0xffff  }
0x11c: {  	v19 =	vmul.u32 v8, v19;
	v22 =	vld.idx.msk [tilespmem:v22+s11+$0x0], $0xffff  }
0x11d: {  	v17 =	vmul.u32 v9, v17;
	v23 =	vld.idx.msk [tilespmem:v23+s11+$0x0], $0xffff  }
0x11e: {  	v18 =	vmul.u32 v10, v18  }
0x11f: {  	v17 =	vadd.s32 v19, v17;
	v19 =	vmul.u32 v11, v20  }
0x120: {  	v17 =	vadd.s32 v18, v17;
	v16 =	vmul.u32 v12, v16  }
0x121: {  	v17 =	vadd.s32 v19, v17;
	v18 =	vmul.u32 v13, v21  }
0x122: {  	s26 =	sadd.s32 $0xC0, s25;
	v16 =	vadd.s32 v16, v17;
	v17 =	vmul.u32 v14, v22  }
0x123: {  	v19 =	vadd.s32 s26, v0;
	v16 =	vadd.s32 v18, v16;
	v18 =	vmul.u32 v15, v23  }
0x124: {  	v16 =	vadd.s32 v17, v16;
	v17 =	vadd.s32 s26, v1  }
0x125: {  	v16 =	vadd.s32 v18, v16;
	v18 =	vadd.s32 s26, v2  }
0x126: {  	v20 =	vadd.s32 s26, v3;
	v16 =	vand.u32 $0x1, v16  }
0x127: {  	[tilespmem:s22+$0x10] =	vst v16;
	v16 =	vadd.s32 s26, v5  }
0x128: {  	v21 =	vadd.s32 s26, v4;
	v19 =	vld.idx.msk [tilespmem:v19+s11+$0x0], $0xffff  }
0x129: {  	v22 =	vadd.s32 s26, v6;
	v17 =	vld.idx.msk [tilespmem:v17+s11+$0x0], $0xffff  }
0x12a: {  	v23 =	vadd.s32 s26, v7;
	v18 =	vld.idx.msk [tilespmem:v18+s11+$0x0], $0xffff  }
0x12b: {  	v20 =	vld.idx.msk [tilespmem:v20+s11+$0x0], $0xffff  }
0x12c: {  	v16 =	vld.idx.msk [tilespmem:v16+s11+$0x0], $0xffff  }
0x12d: {  	v21 =	vld.idx.msk [tilespmem:v21+s11+$0x0], $0xffff  }
0x12e: {  	v22 =	vld.idx.msk [tilespmem:v22+s11+$0x0], $0xffff  }
0x12f: {  	v19 =	vmul.u32 v8, v19;
	v17 =	vmul.u32 v9, v17;
	v23 =	vld.idx.msk [tilespmem:v23+s11+$0x0], $0xffff  }
0x130: {  	v18 =	vmul.u32 v10, v18  }
0x131: {  	v17 =	vadd.s32 v19, v17;
	v19 =	vmul.u32 v11, v20  }
0x132: {  	v17 =	vadd.s32 v18, v17  }
0x133: {  	v16 =	vmul.u32 v13, v16;
	v17 =	vadd.s32 v19, v17;
	v18 =	vmul.u32 v12, v21  }
0x134: {  	v19 =	vmul.u32 v14, v22  }
0x135: {  	s25 =	sadd.s32 $0xE0, s25;
	v17 =	vadd.s32 v18, v17  }
0x136: {  	v18 =	vadd.s32 s25, v0;
	v16 =	vadd.s32 v16, v17;
	v17 =	vmul.u32 v15, v23  }
0x137: {  	v16 =	vadd.s32 v19, v16;
	v19 =	vadd.s32 s25, v1  }
0x138: {  	v16 =	vadd.s32 v17, v16;
	v17 =	vadd.s32 s25, v2  }
0x139: {  	v23 =	vadd.s32 s25, v3;
	v16 =	vand.u32 $0x1, v16  }
0x13a: {  	[tilespmem:s22+$0x20] =	vst v16;
	v16 =	vadd.s32 s25, v4  }
0x13b: {  	v24 =	vadd.s32 s25, v5;
	v18 =	vld.idx.msk [tilespmem:v18+s11+$0x0], $0xffff  }
0x13c: {  	v25 =	vadd.s32 s25, v6;
	v21 =	vld.idx.msk [tilespmem:v19+s11+$0x0], $0xffff  }
.Ltmp0:
0x13d: {  	v22 =	vadd.s32 s25, v7;
	v20 =	vld.idx.msk [tilespmem:v17+s11+$0x0], $0xffff;
	(pc) =	sbr.rel @p1 .LBB2_3-.Ltmp0, $4  }
0x13e: {  	v19 =	vld.idx.msk [tilespmem:v23+s11+$0x0], $0xffff  }
0x13f: {  	v17 =	vld.idx.msk [tilespmem:v16+s11+$0x0], $0xffff  }
0x140: {  	v16 =	vld.idx.msk [tilespmem:v24+s11+$0x0], $0xffff  }
0x141: {  	v23 =	vmul.u32 v8, v18;
	v18 =	vld.idx.msk [tilespmem:v25+s11+$0x0], $0xffff  }
0x142: {  	_ =	sdelay $0x2  }
0x143: {  	v21 =	vmul.u32 v9, v21  }
0x144: {  	v22 =	vld.idx.msk [tilespmem:v22+s11+$0x0], $0xffff;
	v20 =	vmul.u32 v10, v20  }
0x145: {  	v19 =	vmul.u32 v11, v19;
	v21 =	vadd.s32 v23, v21  }
0x146: {  	v17 =	vmul.u32 v12, v17;
	v20 =	vadd.s32 v20, v21  }
0x147: {  	v16 =	vmul.u32 v13, v16;
	v19 =	vadd.s32 v19, v20  }
0x148: {  	v18 =	vmul.u32 v14, v18;
	v17 =	vadd.s32 v17, v19  }
0x149: {  	v16 =	vadd.s32 v16, v17;
	v17 =	vmul.u32 v15, v22  }
0x14a: {  	v16 =	vadd.s32 v18, v16  }
0x14b: {  	v16 =	vadd.s32 v17, v16  }
0x14c: {  	s22 =	sshll.u32 s20, $0xC;
	v16 =	vand.u32 $0x1, v16  }
0x14d: {  	p1 =	seq.s32 s20, $0x3;
	s22 =	sadd.s32 s22, s6;
	[tilespmem:s23+$0x30] =	vst v16  }
0x14e: {  	[hbm4b:s22+s2] =	stream.linear.scatter [tilespmem:s14], [sflag:$0x3], $0x4000, $0x38;
	[tilespmem:$0x18100] =	vst v63  }
0x14f: {  	s22 =	sshll.u32 @!p1 s20, $0xD  }
0x150: {  	s24 =	simm.s32 @!p1 $0x100;
	s23 =	simm.s32 @!p1 $0x0;
	s22 =	sadd.s32 @!p1 s22, s7  }
0x151: {  	[tilespmem:s24], [sflag:$0x1] =	stream.linear.gather @!p1 [hbm4b:s22+s23], $0x8000, $0x38;
	[tilespmem:$0x18100] =	vst v63  }
0x152: {  	s31 =	simm.s32 $0x0;
	_ =	swait.ge [sflag:s15], $0x8000  }
0x153: {  	v16 =	vadd.s32 s31, v1;
	[sflag:s15] =	ssyncset.done $0x0  }
0x154: {  	v17 =	vadd.s32 s31, v0;
	s23 =	simm.s32 @!p0 $0x4;
	[sflag:s15] =	ssyncadd.s32 $0xFFFF8000  }
0x155: {  	v18 =	vadd.s32 s31, v2;
	_ =	swait.ge @!p0 [sflag:s23], $0x4000  }
0x156: {  	v19 =	vadd.s32 s31, v3;
	[sflag:s23] =	ssyncset.done @!p0 $0x0  }
0x157: {  	v20 =	vadd.s32 s31, v4;
	[sflag:s23] =	ssyncadd.s32 @!p0 $0xFFFFC000  }
0x158: {  	v21 =	vadd.s32 s31, v5;
	v16 =	vld.idx.msk [tilespmem:v16+s12+$0x0], $0xffff  }
0x159: {  	v22 =	vadd.s32 s31, v6;
	v17 =	vld.idx.msk [tilespmem:v17+s12+$0x0], $0xffff  }
0x15a: {  	v23 =	vadd.s32 s31, v7;
	v18 =	vld.idx.msk [tilespmem:v18+s12+$0x0], $0xffff  }
0x15b: {  	v19 =	vld.idx.msk [tilespmem:v19+s12+$0x0], $0xffff  }
0x15c: {  	v20 =	vld.idx.msk [tilespmem:v20+s12+$0x0], $0xffff  }
0x15d: {  	v21 =	vld.idx.msk [tilespmem:v21+s12+$0x0], $0xffff  }
0x15e: {  	v22 =	vld.idx.msk [tilespmem:v22+s12+$0x0], $0xffff;
	v17 =	vmul.u32 v8, v17;
	v16 =	vmul.u32 v9, v16  }
0x15f: {  	v23 =	vld.idx.msk [tilespmem:v23+s12+$0x0], $0xffff;
	v18 =	vmul.u32 v10, v18  }
0x160: {  	v16 =	vadd.s32 v17, v16;
	v17 =	vmul.u32 v11, v19  }
0x161: {  	v16 =	vadd.s32 v18, v16;
	v18 =	vmul.u32 v12, v20  }
0x162: {  	v16 =	vadd.s32 v17, v16;
	v17 =	vmul.u32 v13, v21  }
0x163: {  	s24 =	simm.s32 $0x20;
	v16 =	vadd.s32 v18, v16;
	v18 =	vmul.u32 v14, v22  }
0x164: {  	v19 =	vadd.s32 s24, v0;
	v16 =	vadd.s32 v17, v16;
	v17 =	vmul.u32 v15, v23  }
0x165: {  	v16 =	vadd.s32 v18, v16;
	v18 =	vadd.s32 s24, v1  }
0x166: {  	v16 =	vadd.s32 v17, v16;
	v17 =	vadd.s32 s24, v2  }
0x167: {  	s22 =	simm.s32 $0x14140;
	v20 =	vadd.s32 s24, v3;
	v16 =	vand.u32 $0x1, v16  }
0x168: {  	[tilespmem:s22+$0xFFFFFFC0] =	vst v16;
	v16 =	vadd.s32 s24, v4  }
0x169: {  	v21 =	vadd.s32 s24, v5;
	v19 =	vld.idx.msk [tilespmem:v19+s12+$0x0], $0xffff  }
0x16a: {  	v22 =	vadd.s32 s24, v6;
	v18 =	vld.idx.msk [tilespmem:v18+s12+$0x0], $0xffff  }
0x16b: {  	v23 =	vadd.s32 s24, v7;
	v17 =	vld.idx.msk [tilespmem:v17+s12+$0x0], $0xffff  }
0x16c: {  	v20 =	vld.idx.msk [tilespmem:v20+s12+$0x0], $0xffff  }
0x16d: {  	v16 =	vld.idx.msk [tilespmem:v16+s12+$0x0], $0xffff  }
0x16e: {  	v21 =	vld.idx.msk [tilespmem:v21+s12+$0x0], $0xffff  }
0x16f: {  	v22 =	vld.idx.msk [tilespmem:v22+s12+$0x0], $0xffff;
	v19 =	vmul.u32 v8, v19;
	v18 =	vmul.u32 v9, v18  }
0x170: {  	v23 =	vld.idx.msk [tilespmem:v23+s12+$0x0], $0xffff;
	v17 =	vmul.u32 v10, v17  }
0x171: {  	v18 =	vadd.s32 v19, v18;
	v19 =	vmul.u32 v11, v20  }
0x172: {  	v17 =	vadd.s32 v17, v18;
	v16 =	vmul.u32 v12, v16  }
0x173: {  	v18 =	vmul.u32 v13, v21;
	v17 =	vadd.s32 v19, v17  }
0x174: {  	s25 =	simm.s32 $0x40;
	v16 =	vadd.s32 v16, v17;
	v17 =	vmul.u32 v14, v22  }
0x175: {  	v19 =	vadd.s32 s25, v0;
	v16 =	vadd.s32 v18, v16;
	v18 =	vmul.u32 v15, v23  }
0x176: {  	v16 =	vadd.s32 v17, v16;
	v17 =	vadd.s32 s25, v1  }
0x177: {  	v16 =	vadd.s32 v18, v16;
	v18 =	vadd.s32 s25, v2  }
0x178: {  	v20 =	vadd.s32 s25, v3;
	v16 =	vand.u32 $0x1, v16  }
0x179: {  	[tilespmem:s22+$0xFFFFFFD0] =	vst v16;
	v16 =	vadd.s32 s25, v4  }
0x17a: {  	v21 =	vadd.s32 s25, v5;
	v19 =	vld.idx.msk [tilespmem:v19+s12+$0x0], $0xffff  }
0x17b: {  	v22 =	vadd.s32 s25, v6;
	v17 =	vld.idx.msk [tilespmem:v17+s12+$0x0], $0xffff  }
0x17c: {  	v23 =	vadd.s32 s25, v7;
	v18 =	vld.idx.msk [tilespmem:v18+s12+$0x0], $0xffff  }
0x17d: {  	v20 =	vld.idx.msk [tilespmem:v20+s12+$0x0], $0xffff  }
0x17e: {  	v16 =	vld.idx.msk [tilespmem:v16+s12+$0x0], $0xffff  }
0x17f: {  	v21 =	vld.idx.msk [tilespmem:v21+s12+$0x0], $0xffff  }
0x180: {  	v22 =	vld.idx.msk [tilespmem:v22+s12+$0x0], $0xffff;
	v19 =	vmul.u32 v8, v19;
	v17 =	vmul.u32 v9, v17  }
0x181: {  	v23 =	vld.idx.msk [tilespmem:v23+s12+$0x0], $0xffff;
	v18 =	vmul.u32 v10, v18  }
0x182: {  	v17 =	vadd.s32 v19, v17;
	v19 =	vmul.u32 v11, v20  }
0x183: {  	v17 =	vadd.s32 v18, v17;
	v16 =	vmul.u32 v12, v16  }
0x184: {  	v18 =	vmul.u32 v13, v21;
	v17 =	vadd.s32 v19, v17  }
0x185: {  	s26 =	simm.s32 $0x60;
	v16 =	vadd.s32 v16, v17;
	v17 =	vmul.u32 v14, v22  }
0x186: {  	v19 =	vadd.s32 s26, v0;
	v16 =	vadd.s32 v18, v16;
	v18 =	vmul.u32 v15, v23  }
0x187: {  	v16 =	vadd.s32 v17, v16;
	v17 =	vadd.s32 s26, v1  }
0x188: {  	v16 =	vadd.s32 v18, v16;
	v18 =	vadd.s32 s26, v2  }
0x189: {  	v20 =	vadd.s32 s26, v3;
	v16 =	vand.u32 $0x1, v16  }
0x18a: {  	[tilespmem:s22+$0xFFFFFFE0] =	vst v16;
	v16 =	vadd.s32 s26, v4  }
0x18b: {  	v21 =	vadd.s32 s26, v5;
	v19 =	vld.idx.msk [tilespmem:v19+s12+$0x0], $0xffff  }
0x18c: {  	v22 =	vadd.s32 s26, v6;
	v17 =	vld.idx.msk [tilespmem:v17+s12+$0x0], $0xffff  }
0x18d: {  	v23 =	vadd.s32 s26, v7;
	v18 =	vld.idx.msk [tilespmem:v18+s12+$0x0], $0xffff  }
0x18e: {  	v20 =	vld.idx.msk [tilespmem:v20+s12+$0x0], $0xffff  }
0x18f: {  	v16 =	vld.idx.msk [tilespmem:v16+s12+$0x0], $0xffff  }
0x190: {  	v21 =	vld.idx.msk [tilespmem:v21+s12+$0x0], $0xffff  }
0x191: {  	v22 =	vld.idx.msk [tilespmem:v22+s12+$0x0], $0xffff;
	v19 =	vmul.u32 v8, v19;
	v17 =	vmul.u32 v9, v17  }
0x192: {  	v23 =	vld.idx.msk [tilespmem:v23+s12+$0x0], $0xffff;
	v18 =	vmul.u32 v10, v18  }
0x193: {  	v17 =	vadd.s32 v19, v17;
	v19 =	vmul.u32 v11, v20  }
0x194: {  	v17 =	vadd.s32 v18, v17;
	v16 =	vmul.u32 v12, v16  }
0x195: {  	v18 =	vmul.u32 v13, v21;
	v17 =	vadd.s32 v19, v17  }
0x196: {  	s28 =	simm.s32 $0x80;
	v16 =	vadd.s32 v16, v17;
	v17 =	vmul.u32 v14, v22  }
0x197: {  	v19 =	vadd.s32 s28, v0;
	v16 =	vadd.s32 v18, v16;
	v18 =	vmul.u32 v15, v23  }
0x198: {  	v16 =	vadd.s32 v17, v16;
	v17 =	vadd.s32 s28, v1  }
0x199: {  	v16 =	vadd.s32 v18, v16;
	v18 =	vadd.s32 s28, v2  }
0x19a: {  	v20 =	vadd.s32 s28, v3;
	v16 =	vand.u32 $0x1, v16  }
0x19b: {  	[tilespmem:s22+$0xFFFFFFF0] =	vst v16;
	v16 =	vadd.s32 s28, v4  }
0x19c: {  	v21 =	vadd.s32 s28, v5;
	v19 =	vld.idx.msk [tilespmem:v19+s12+$0x0], $0xffff  }
0x19d: {  	v22 =	vadd.s32 s28, v6;
	v17 =	vld.idx.msk [tilespmem:v17+s12+$0x0], $0xffff  }
0x19e: {  	v23 =	vadd.s32 s28, v7;
	v18 =	vld.idx.msk [tilespmem:v18+s12+$0x0], $0xffff  }
0x19f: {  	v20 =	vld.idx.msk [tilespmem:v20+s12+$0x0], $0xffff  }
0x1a0: {  	v16 =	vld.idx.msk [tilespmem:v16+s12+$0x0], $0xffff  }
0x1a1: {  	v21 =	vld.idx.msk [tilespmem:v21+s12+$0x0], $0xffff  }
0x1a2: {  	v22 =	vld.idx.msk [tilespmem:v22+s12+$0x0], $0xffff;
	v19 =	vmul.u32 v8, v19;
	v17 =	vmul.u32 v9, v17  }
0x1a3: {  	v23 =	vld.idx.msk [tilespmem:v23+s12+$0x0], $0xffff;
	v18 =	vmul.u32 v10, v18  }
0x1a4: {  	v17 =	vadd.s32 v19, v17;
	v19 =	vmul.u32 v11, v20  }
0x1a5: {  	v17 =	vadd.s32 v18, v17;
	v16 =	vmul.u32 v12, v16  }
0x1a6: {  	v18 =	vmul.u32 v13, v21;
	v17 =	vadd.s32 v19, v17  }
0x1a7: {  	s29 =	simm.s32 $0xA0;
	v16 =	vadd.s32 v16, v17;
	v17 =	vmul.u32 v14, v22  }
0x1a8: {  	v19 =	vadd.s32 s29, v0;
	v16 =	vadd.s32 v18, v16;
	v18 =	vmul.u32 v15, v23  }
0x1a9: {  	v16 =	vadd.s32 v17, v16;
	v17 =	vadd.s32 s29, v1  }
0x1aa: {  	v16 =	vadd.s32 v18, v16;
	v18 =	vadd.s32 s29, v2  }
0x1ab: {  	v20 =	vadd.s32 s29, v3;
	v16 =	vand.u32 $0x1, v16  }
0x1ac: {  	[tilespmem:s22+$0x0] =	vst v16;
	v16 =	vadd.s32 s29, v4  }
0x1ad: {  	v21 =	vadd.s32 s29, v5;
	v19 =	vld.idx.msk [tilespmem:v19+s12+$0x0], $0xffff  }
0x1ae: {  	v22 =	vadd.s32 s29, v6;
	v17 =	vld.idx.msk [tilespmem:v17+s12+$0x0], $0xffff  }
0x1af: {  	v23 =	vadd.s32 s29, v7;
	v18 =	vld.idx.msk [tilespmem:v18+s12+$0x0], $0xffff  }
0x1b0: {  	v20 =	vld.idx.msk [tilespmem:v20+s12+$0x0], $0xffff  }
0x1b1: {  	v16 =	vld.idx.msk [tilespmem:v16+s12+$0x0], $0xffff  }
0x1b2: {  	v21 =	vld.idx.msk [tilespmem:v21+s12+$0x0], $0xffff  }
0x1b3: {  	v22 =	vld.idx.msk [tilespmem:v22+s12+$0x0], $0xffff;
	v19 =	vmul.u32 v8, v19;
	v17 =	vmul.u32 v9, v17  }
0x1b4: {  	v23 =	vld.idx.msk [tilespmem:v23+s12+$0x0], $0xffff;
	v18 =	vmul.u32 v10, v18  }
0x1b5: {  	v17 =	vadd.s32 v19, v17;
	v19 =	vmul.u32 v11, v20  }
0x1b6: {  	v17 =	vadd.s32 v18, v17;
	v16 =	vmul.u32 v12, v16  }
0x1b7: {  	v18 =	vmul.u32 v13, v21;
	v17 =	vadd.s32 v19, v17  }
0x1b8: {  	s30 =	simm.s32 $0xC0;
	v16 =	vadd.s32 v16, v17;
	v17 =	vmul.u32 v14, v22  }
0x1b9: {  	v19 =	vadd.s32 s30, v0;
	v16 =	vadd.s32 v18, v16;
	v18 =	vmul.u32 v15, v23  }
0x1ba: {  	v16 =	vadd.s32 v17, v16;
	v17 =	vadd.s32 s30, v1  }
0x1bb: {  	v16 =	vadd.s32 v18, v16;
	v18 =	vadd.s32 s30, v2  }
0x1bc: {  	v20 =	vadd.s32 s30, v3;
	v16 =	vand.u32 $0x1, v16  }
0x1bd: {  	[tilespmem:s22+$0x10] =	vst v16;
	v16 =	vadd.s32 s30, v4  }
0x1be: {  	v21 =	vadd.s32 s30, v5;
	v19 =	vld.idx.msk [tilespmem:v19+s12+$0x0], $0xffff  }
0x1bf: {  	v22 =	vadd.s32 s30, v6;
	v17 =	vld.idx.msk [tilespmem:v17+s12+$0x0], $0xffff  }
0x1c0: {  	v23 =	vadd.s32 s30, v7;
	v18 =	vld.idx.msk [tilespmem:v18+s12+$0x0], $0xffff  }
0x1c1: {  	v20 =	vld.idx.msk [tilespmem:v20+s12+$0x0], $0xffff  }
0x1c2: {  	v16 =	vld.idx.msk [tilespmem:v16+s12+$0x0], $0xffff  }
0x1c3: {  	v21 =	vld.idx.msk [tilespmem:v21+s12+$0x0], $0xffff  }
0x1c4: {  	v22 =	vld.idx.msk [tilespmem:v22+s12+$0x0], $0xffff;
	v19 =	vmul.u32 v8, v19;
	v17 =	vmul.u32 v9, v17  }
0x1c5: {  	v23 =	vld.idx.msk [tilespmem:v23+s12+$0x0], $0xffff;
	v18 =	vmul.u32 v10, v18  }
0x1c6: {  	v17 =	vadd.s32 v19, v17;
	v19 =	vmul.u32 v11, v20  }
0x1c7: {  	v17 =	vadd.s32 v18, v17;
	v16 =	vmul.u32 v12, v16  }
0x1c8: {  	v18 =	vmul.u32 v13, v21;
	v17 =	vadd.s32 v19, v17  }
0x1c9: {  	s31 =	simm.s32 $0xE0;
	v19 =	vmul.u32 v14, v22;
	v16 =	vadd.s32 v16, v17  }
0x1ca: {  	v17 =	vmul.u32 v15, v23;
	v16 =	vadd.s32 v18, v16;
	v18 =	vadd.s32 s31, v0  }
0x1cb: {  	v16 =	vadd.s32 v19, v16;
	v19 =	vadd.s32 s31, v1  }
0x1cc: {  	v22 =	vadd.s32 s31, v3;
	v16 =	vadd.s32 v17, v16  }
0x1cd: {  	v17 =	vadd.s32 s31, v2;
	v16 =	vand.u32 $0x1, v16  }
0x1ce: {  	[tilespmem:s22+$0x20] =	vst v16;
	v16 =	vadd.s32 s31, v4  }
0x1cf: {  	v23 =	vadd.s32 s31, v5;
	v18 =	vld.idx.msk [tilespmem:v18+s12+$0x0], $0xffff  }
0x1d0: {  	v24 =	vadd.s32 s31, v6;
	v21 =	vld.idx.msk [tilespmem:v19+s12+$0x0], $0xffff  }
0x1d1: {  	v19 =	vld.idx.msk [tilespmem:v22+s12+$0x0], $0xffff  }
0x1d2: {  	v22 =	vadd.s32 s31, v7;
	v20 =	vld.idx.msk [tilespmem:v17+s12+$0x0], $0xffff  }
0x1d3: {  	v17 =	vld.idx.msk [tilespmem:v16+s12+$0x0], $0xffff  }
0x1d4: {  	v16 =	vld.idx.msk [tilespmem:v23+s12+$0x0], $0xffff  }
0x1d5: {  	s21 =	sshll.u32 s21, $0xB;
	s23 =	simm.s32 $0x14140;
	s24 =	simm.s32 $0x100;
	v23 =	vmul.u32 v8, v18;
	v18 =	vld.idx.msk [tilespmem:v24+s12+$0x0], $0xffff  }
.LBB2_5:
0x1d6: {  	p0 =	sne.s32 s24, $0x7F00  }
0x1d7: {  	v21 =	vmul.u32 v9, v21;
	v22 =	vld.idx.msk [tilespmem:v22+s12+$0x0], $0xffff;
	s22 =	sadd.s32 $0x80, s22;
	s25 =	smov.u32 s24;
	s24 =	sadd.s32 $0x100, s24  }
0x1d8: {  	v20 =	vmul.u32 v10, v20  }
0x1d9: {  	v19 =	vmul.u32 v11, v19;
	v21 =	vadd.s32 v23, v21  }
0x1da: {  	v17 =	vmul.u32 v12, v17;
	v20 =	vadd.s32 v20, v21  }
0x1db: {  	v16 =	vmul.u32 v13, v16;
	v19 =	vadd.s32 v19, v20  }
0x1dc: {  	v18 =	vmul.u32 v14, v18;
	v17 =	vadd.s32 v17, v19  }
0x1dd: {  	v16 =	vadd.s32 v16, v17  }
0x1de: {  	v17 =	vmul.u32 v15, v22;
	v16 =	vadd.s32 v18, v16  }
0x1df: {  	v20 =	vadd.s32 s25, v2;
	v19 =	vadd.s32 s25, v1;
	v18 =	vadd.s32 s25, v0  }
0x1e0: {  	v16 =	vadd.s32 v17, v16  }
0x1e1: {  	v16 =	vand.u32 $0x1, v16  }
0x1e2: {  	[tilespmem:s23+$0x30] =	vst v16;
	s23 =	smov.u32 s22  }
0x1e3: {  	v16 =	vadd.s32 s25, v3  }
0x1e4: {  	v17 =	vld.idx.msk [tilespmem:v20+s12+$0x0], $0xffff;
	v20 =	vadd.s32 s25, v4  }
0x1e5: {  	v21 =	vadd.s32 s25, v5;
	v19 =	vld.idx.msk [tilespmem:v19+s12+$0x0], $0xffff  }
0x1e6: {  	v22 =	vadd.s32 s25, v6;
	v18 =	vld.idx.msk [tilespmem:v18+s12+$0x0], $0xffff  }
0x1e7: {  	v23 =	vadd.s32 s25, v7  }
0x1e8: {  	v16 =	vld.idx.msk [tilespmem:v16+s12+$0x0], $0xffff  }
0x1e9: {  	v20 =	vld.idx.msk [tilespmem:v20+s12+$0x0], $0xffff  }
0x1ea: {  	v21 =	vld.idx.msk [tilespmem:v21+s12+$0x0], $0xffff  }
0x1eb: {  	v17 =	vmul.u32 v10, v17;
	v22 =	vld.idx.msk [tilespmem:v22+s12+$0x0], $0xffff  }
0x1ec: {  	v19 =	vmul.u32 v9, v19;
	v18 =	vmul.u32 v8, v18;
	v23 =	vld.idx.msk [tilespmem:v23+s12+$0x0], $0xffff;
	_ =	sdelay $0x1  }
0x1ed: {  	v18 =	vadd.s32 v18, v19;
	v16 =	vmul.u32 v11, v16  }
0x1ee: {  	v17 =	vadd.s32 v17, v18;
	v18 =	vmul.u32 v12, v20  }
0x1ef: {  	v16 =	vadd.s32 v16, v17;
	v17 =	vmul.u32 v13, v21  }
0x1f0: {  	s26 =	sadd.s32 $0x20, s25;
	v16 =	vadd.s32 v18, v16;
	v18 =	vmul.u32 v14, v22  }
0x1f1: {  	v19 =	vadd.s32 s26, v0;
	v16 =	vadd.s32 v17, v16;
	v17 =	vmul.u32 v15, v23  }
0x1f2: {  	v16 =	vadd.s32 v18, v16;
	v18 =	vadd.s32 s26, v1  }
0x1f3: {  	v16 =	vadd.s32 v17, v16;
	v17 =	vadd.s32 s26, v2  }
0x1f4: {  	v20 =	vadd.s32 s26, v3;
	v16 =	vand.u32 $0x1, v16  }
0x1f5: {  	[tilespmem:s22+$0xFFFFFFC0] =	vst v16;
	v16 =	vadd.s32 s26, v4  }
0x1f6: {  	v21 =	vadd.s32 s26, v5;
	v19 =	vld.idx.msk [tilespmem:v19+s12+$0x0], $0xffff  }
0x1f7: {  	v22 =	vadd.s32 s26, v6;
	v18 =	vld.idx.msk [tilespmem:v18+s12+$0x0], $0xffff  }
0x1f8: {  	v23 =	vadd.s32 s26, v7;
	v17 =	vld.idx.msk [tilespmem:v17+s12+$0x0], $0xffff  }
0x1f9: {  	v20 =	vld.idx.msk [tilespmem:v20+s12+$0x0], $0xffff  }
0x1fa: {  	v16 =	vld.idx.msk [tilespmem:v16+s12+$0x0], $0xffff  }
0x1fb: {  	v21 =	vld.idx.msk [tilespmem:v21+s12+$0x0], $0xffff  }
0x1fc: {  	v22 =	vld.idx.msk [tilespmem:v22+s12+$0x0], $0xffff  }
0x1fd: {  	v19 =	vmul.u32 v8, v19;
	v18 =	vmul.u32 v9, v18;
	v23 =	vld.idx.msk [tilespmem:v23+s12+$0x0], $0xffff  }
0x1fe: {  	v17 =	vmul.u32 v10, v17  }
0x1ff: {  	v18 =	vadd.s32 v19, v18;
	v19 =	vmul.u32 v11, v20  }
0x200: {  	v17 =	vadd.s32 v17, v18;
	v16 =	vmul.u32 v12, v16  }
0x201: {  	v17 =	vadd.s32 v19, v17;
	v18 =	vmul.u32 v13, v21  }
0x202: {  	s26 =	sadd.s32 $0x40, s25;
	v16 =	vadd.s32 v16, v17;
	v17 =	vmul.u32 v14, v22  }
0x203: {  	v19 =	vadd.s32 s26, v0;
	v16 =	vadd.s32 v18, v16;
	v18 =	vmul.u32 v15, v23  }
0x204: {  	v16 =	vadd.s32 v17, v16;
	v17 =	vadd.s32 s26, v1  }
0x205: {  	v16 =	vadd.s32 v18, v16;
	v18 =	vadd.s32 s26, v2  }
0x206: {  	v20 =	vadd.s32 s26, v3;
	v16 =	vand.u32 $0x1, v16  }
0x207: {  	[tilespmem:s22+$0xFFFFFFD0] =	vst v16;
	v16 =	vadd.s32 s26, v4  }
0x208: {  	v21 =	vadd.s32 s26, v5;
	v19 =	vld.idx.msk [tilespmem:v19+s12+$0x0], $0xffff  }
0x209: {  	v22 =	vadd.s32 s26, v6;
	v17 =	vld.idx.msk [tilespmem:v17+s12+$0x0], $0xffff  }
0x20a: {  	v23 =	vadd.s32 s26, v7;
	v18 =	vld.idx.msk [tilespmem:v18+s12+$0x0], $0xffff  }
0x20b: {  	v20 =	vld.idx.msk [tilespmem:v20+s12+$0x0], $0xffff  }
0x20c: {  	v16 =	vld.idx.msk [tilespmem:v16+s12+$0x0], $0xffff  }
0x20d: {  	v21 =	vld.idx.msk [tilespmem:v21+s12+$0x0], $0xffff  }
0x20e: {  	v19 =	vmul.u32 v8, v19;
	v22 =	vld.idx.msk [tilespmem:v22+s12+$0x0], $0xffff  }
0x20f: {  	v17 =	vmul.u32 v9, v17;
	v23 =	vld.idx.msk [tilespmem:v23+s12+$0x0], $0xffff  }
0x210: {  	v18 =	vmul.u32 v10, v18  }
0x211: {  	v17 =	vadd.s32 v19, v17;
	v19 =	vmul.u32 v11, v20  }
0x212: {  	v17 =	vadd.s32 v18, v17;
	v16 =	vmul.u32 v12, v16  }
0x213: {  	v17 =	vadd.s32 v19, v17;
	v18 =	vmul.u32 v13, v21  }
0x214: {  	s26 =	sadd.s32 $0x60, s25;
	v16 =	vadd.s32 v16, v17;
	v17 =	vmul.u32 v14, v22  }
0x215: {  	v19 =	vadd.s32 s26, v0;
	v16 =	vadd.s32 v18, v16;
	v18 =	vmul.u32 v15, v23  }
0x216: {  	v16 =	vadd.s32 v17, v16;
	v17 =	vadd.s32 s26, v1  }
0x217: {  	v16 =	vadd.s32 v18, v16;
	v18 =	vadd.s32 s26, v2  }
0x218: {  	v20 =	vadd.s32 s26, v3;
	v16 =	vand.u32 $0x1, v16  }
0x219: {  	[tilespmem:s22+$0xFFFFFFE0] =	vst v16;
	v16 =	vadd.s32 s26, v4  }
0x21a: {  	v21 =	vadd.s32 s26, v5;
	v19 =	vld.idx.msk [tilespmem:v19+s12+$0x0], $0xffff  }
0x21b: {  	v22 =	vadd.s32 s26, v6;
	v17 =	vld.idx.msk [tilespmem:v17+s12+$0x0], $0xffff  }
0x21c: {  	v23 =	vadd.s32 s26, v7;
	v18 =	vld.idx.msk [tilespmem:v18+s12+$0x0], $0xffff  }
0x21d: {  	v20 =	vld.idx.msk [tilespmem:v20+s12+$0x0], $0xffff  }
0x21e: {  	v16 =	vld.idx.msk [tilespmem:v16+s12+$0x0], $0xffff  }
0x21f: {  	v21 =	vld.idx.msk [tilespmem:v21+s12+$0x0], $0xffff  }
0x220: {  	v19 =	vmul.u32 v8, v19;
	v22 =	vld.idx.msk [tilespmem:v22+s12+$0x0], $0xffff  }
0x221: {  	v17 =	vmul.u32 v9, v17;
	v23 =	vld.idx.msk [tilespmem:v23+s12+$0x0], $0xffff  }
0x222: {  	v18 =	vmul.u32 v10, v18  }
0x223: {  	v17 =	vadd.s32 v19, v17;
	v19 =	vmul.u32 v11, v20  }
0x224: {  	v17 =	vadd.s32 v18, v17;
	v16 =	vmul.u32 v12, v16  }
0x225: {  	v17 =	vadd.s32 v19, v17;
	v18 =	vmul.u32 v13, v21  }
0x226: {  	s26 =	sadd.s32 $0x80, s25;
	v16 =	vadd.s32 v16, v17;
	v17 =	vmul.u32 v14, v22  }
0x227: {  	v19 =	vadd.s32 s26, v0;
	v16 =	vadd.s32 v18, v16;
	v18 =	vmul.u32 v15, v23  }
0x228: {  	v16 =	vadd.s32 v17, v16;
	v17 =	vadd.s32 s26, v1  }
0x229: {  	v16 =	vadd.s32 v18, v16;
	v18 =	vadd.s32 s26, v2  }
0x22a: {  	v20 =	vadd.s32 s26, v3;
	v16 =	vand.u32 $0x1, v16  }
0x22b: {  	[tilespmem:s22+$0xFFFFFFF0] =	vst v16;
	v16 =	vadd.s32 s26, v4  }
0x22c: {  	v21 =	vadd.s32 s26, v5;
	v19 =	vld.idx.msk [tilespmem:v19+s12+$0x0], $0xffff  }
0x22d: {  	v22 =	vadd.s32 s26, v6;
	v17 =	vld.idx.msk [tilespmem:v17+s12+$0x0], $0xffff  }
0x22e: {  	v23 =	vadd.s32 s26, v7;
	v18 =	vld.idx.msk [tilespmem:v18+s12+$0x0], $0xffff  }
0x22f: {  	v20 =	vld.idx.msk [tilespmem:v20+s12+$0x0], $0xffff  }
0x230: {  	v16 =	vld.idx.msk [tilespmem:v16+s12+$0x0], $0xffff  }
0x231: {  	v21 =	vld.idx.msk [tilespmem:v21+s12+$0x0], $0xffff  }
0x232: {  	v19 =	vmul.u32 v8, v19;
	v22 =	vld.idx.msk [tilespmem:v22+s12+$0x0], $0xffff  }
0x233: {  	v17 =	vmul.u32 v9, v17;
	v23 =	vld.idx.msk [tilespmem:v23+s12+$0x0], $0xffff  }
0x234: {  	v18 =	vmul.u32 v10, v18  }
0x235: {  	v17 =	vadd.s32 v19, v17;
	v19 =	vmul.u32 v11, v20  }
0x236: {  	v17 =	vadd.s32 v18, v17;
	v16 =	vmul.u32 v12, v16  }
0x237: {  	v17 =	vadd.s32 v19, v17;
	v18 =	vmul.u32 v13, v21  }
0x238: {  	s26 =	sadd.s32 $0xA0, s25;
	v16 =	vadd.s32 v16, v17;
	v17 =	vmul.u32 v14, v22  }
0x239: {  	v19 =	vadd.s32 s26, v0;
	v16 =	vadd.s32 v18, v16;
	v18 =	vmul.u32 v15, v23  }
0x23a: {  	v16 =	vadd.s32 v17, v16;
	v17 =	vadd.s32 s26, v1  }
0x23b: {  	v16 =	vadd.s32 v18, v16;
	v18 =	vadd.s32 s26, v2  }
0x23c: {  	v20 =	vadd.s32 s26, v3;
	v16 =	vand.u32 $0x1, v16  }
0x23d: {  	[tilespmem:s22+$0x0] =	vst v16;
	v16 =	vadd.s32 s26, v4  }
0x23e: {  	v21 =	vadd.s32 s26, v5;
	v19 =	vld.idx.msk [tilespmem:v19+s12+$0x0], $0xffff  }
0x23f: {  	v22 =	vadd.s32 s26, v6;
	v17 =	vld.idx.msk [tilespmem:v17+s12+$0x0], $0xffff  }
0x240: {  	v23 =	vadd.s32 s26, v7;
	v18 =	vld.idx.msk [tilespmem:v18+s12+$0x0], $0xffff  }
0x241: {  	v20 =	vld.idx.msk [tilespmem:v20+s12+$0x0], $0xffff  }
0x242: {  	v16 =	vld.idx.msk [tilespmem:v16+s12+$0x0], $0xffff  }
0x243: {  	v21 =	vld.idx.msk [tilespmem:v21+s12+$0x0], $0xffff  }
0x244: {  	v19 =	vmul.u32 v8, v19;
	v22 =	vld.idx.msk [tilespmem:v22+s12+$0x0], $0xffff  }
0x245: {  	v17 =	vmul.u32 v9, v17;
	v23 =	vld.idx.msk [tilespmem:v23+s12+$0x0], $0xffff  }
0x246: {  	v18 =	vmul.u32 v10, v18  }
0x247: {  	v17 =	vadd.s32 v19, v17;
	v19 =	vmul.u32 v11, v20  }
0x248: {  	v17 =	vadd.s32 v18, v17;
	v16 =	vmul.u32 v12, v16  }
0x249: {  	v17 =	vadd.s32 v19, v17;
	v18 =	vmul.u32 v13, v21  }
0x24a: {  	s26 =	sadd.s32 $0xC0, s25;
	v16 =	vadd.s32 v16, v17;
	v17 =	vmul.u32 v14, v22  }
0x24b: {  	v19 =	vadd.s32 s26, v0;
	v16 =	vadd.s32 v18, v16;
	v18 =	vmul.u32 v15, v23  }
0x24c: {  	v16 =	vadd.s32 v17, v16;
	v17 =	vadd.s32 s26, v1  }
0x24d: {  	v16 =	vadd.s32 v18, v16;
	v18 =	vadd.s32 s26, v2  }
0x24e: {  	v20 =	vadd.s32 s26, v3;
	v16 =	vand.u32 $0x1, v16  }
0x24f: {  	[tilespmem:s22+$0x10] =	vst v16;
	v16 =	vadd.s32 s26, v5  }
0x250: {  	v21 =	vadd.s32 s26, v4;
	v19 =	vld.idx.msk [tilespmem:v19+s12+$0x0], $0xffff  }
0x251: {  	v22 =	vadd.s32 s26, v6;
	v17 =	vld.idx.msk [tilespmem:v17+s12+$0x0], $0xffff  }
0x252: {  	v23 =	vadd.s32 s26, v7;
	v18 =	vld.idx.msk [tilespmem:v18+s12+$0x0], $0xffff  }
0x253: {  	v20 =	vld.idx.msk [tilespmem:v20+s12+$0x0], $0xffff  }
0x254: {  	v16 =	vld.idx.msk [tilespmem:v16+s12+$0x0], $0xffff  }
0x255: {  	v21 =	vld.idx.msk [tilespmem:v21+s12+$0x0], $0xffff  }
0x256: {  	v22 =	vld.idx.msk [tilespmem:v22+s12+$0x0], $0xffff  }
0x257: {  	v19 =	vmul.u32 v8, v19;
	v17 =	vmul.u32 v9, v17;
	v23 =	vld.idx.msk [tilespmem:v23+s12+$0x0], $0xffff  }
0x258: {  	v18 =	vmul.u32 v10, v18  }
0x259: {  	v17 =	vadd.s32 v19, v17;
	v19 =	vmul.u32 v11, v20  }
0x25a: {  	v17 =	vadd.s32 v18, v17  }
0x25b: {  	v16 =	vmul.u32 v13, v16;
	v17 =	vadd.s32 v19, v17;
	v18 =	vmul.u32 v12, v21  }
0x25c: {  	v19 =	vmul.u32 v14, v22  }
0x25d: {  	s25 =	sadd.s32 $0xE0, s25;
	v17 =	vadd.s32 v18, v17  }
0x25e: {  	v18 =	vadd.s32 s25, v0;
	v16 =	vadd.s32 v16, v17;
	v17 =	vmul.u32 v15, v23  }
0x25f: {  	v16 =	vadd.s32 v19, v16;
	v19 =	vadd.s32 s25, v1  }
0x260: {  	v16 =	vadd.s32 v17, v16;
	v17 =	vadd.s32 s25, v2  }
0x261: {  	v23 =	vadd.s32 s25, v3;
	v16 =	vand.u32 $0x1, v16  }
0x262: {  	[tilespmem:s22+$0x20] =	vst v16;
	v16 =	vadd.s32 s25, v4  }
0x263: {  	v24 =	vadd.s32 s25, v5;
	v18 =	vld.idx.msk [tilespmem:v18+s12+$0x0], $0xffff  }
0x264: {  	v25 =	vadd.s32 s25, v6;
	v21 =	vld.idx.msk [tilespmem:v19+s12+$0x0], $0xffff  }
.Ltmp1:
0x265: {  	v22 =	vadd.s32 s25, v7;
	v20 =	vld.idx.msk [tilespmem:v17+s12+$0x0], $0xffff;
	(pc) =	sbr.rel @p0 .LBB2_5-.Ltmp1, $4  }
0x266: {  	v19 =	vld.idx.msk [tilespmem:v23+s12+$0x0], $0xffff  }
0x267: {  	v17 =	vld.idx.msk [tilespmem:v16+s12+$0x0], $0xffff  }
0x268: {  	v16 =	vld.idx.msk [tilespmem:v24+s12+$0x0], $0xffff  }
0x269: {  	v23 =	vmul.u32 v8, v18;
	v18 =	vld.idx.msk [tilespmem:v25+s12+$0x0], $0xffff  }
0x26a: {  	_ =	sdelay $0x2  }
0x26b: {  	v21 =	vmul.u32 v9, v21  }
0x26c: {  	v22 =	vld.idx.msk [tilespmem:v22+s12+$0x0], $0xffff;
	v20 =	vmul.u32 v10, v20  }
0x26d: {  	v19 =	vmul.u32 v11, v19;
	v21 =	vadd.s32 v23, v21  }
0x26e: {  	v17 =	vmul.u32 v12, v17;
	v20 =	vadd.s32 v20, v21  }
0x26f: {  	v16 =	vmul.u32 v13, v16;
	v19 =	vadd.s32 v19, v20  }
0x270: {  	s20 =	sadd.s32 $0x1, s20;
	v18 =	vmul.u32 v14, v18;
	v17 =	vadd.s32 v17, v19  }
0x271: {  	p0 =	sne.s32 s20, $0x4;
	v16 =	vadd.s32 v16, v17;
	v17 =	vmul.u32 v15, v22  }
.Ltmp2:
0x272: {  	v16 =	vadd.s32 v18, v16;
	(pc) =	sbr.rel @p0 .LBB2_2-.Ltmp2, $4  }
0x273: {  	v16 =	vadd.s32 v17, v16  }
0x274: {  	v16 =	vand.u32 $0x1, v16  }
0x275: {  	s21 =	sadd.s32 s21, s6;
	[tilespmem:s23+$0x30] =	vst v16  }
0x276: {  	[hbm4b:s21+s2] =	stream.linear.scatter [tilespmem:s16], [sflag:$0x4], $0x4000, $0x38;
	[tilespmem:$0x18100] =	vst v63  }
0x277: {  	s19 =	sadd.s32 $0x1, s19  }
0x278: {  	_ =	swait.ge [sflag:s17], $0x4000;
	p0 =	sne.s32 s19, s8  }
.Ltmp3:
0x279: {  	[sflag:s17] =	ssyncset.done $0x0;
	(pc) =	sbr.rel @p0 .LBB2_1-.Ltmp3, $4  }
0x27a: {  	[sflag:s17] =	ssyncadd.s32 $0xFFFFC000  }
0x27b: {  	_ =	swait.ge [sflag:s18], $0x4000  }
0x27c: {  	[sflag:s18] =	ssyncset.done $0x0  }
0x27d: {  	[sflag:s18] =	ssyncadd.s32 $0xFFFFC000  }
0x27e: {  	_ =	sfence.sel $0x180000  }
0x27f: {  	[bflag:$0x0] =	sbarrier.arrive $0xFFFF  }
0x280: {  	p0 =	sne.s32 s1, $0x0;
	_ =	strace $0x90000047  }
0x281: {  	s0 =	sadd.s32 @!p0 $0x100000, s0;
	[bflag:$0x2] =	sbarrier.arrive $0xFFFF  }
0x282: {  	[sflag:s0] =	ssyncadd.tile.s32 @!p0 $0x1;
	_ =	shalt  }
.Lfunc_end2:
_tile_overlayer_lowered:
.L_overlay_start_2:
0x283: {  	(tag) =	ssettag $0x2  }
0x284: {  	s0 =	rddreg [dreg:$0x0];
	s2 =	stileid.u32  }
0x285: {  	s1 =	rddreg [dreg:$0x1];
	p0 =	sne.s32 s2, $0x0  }
0x286: {  	s3 =	rddreg [dreg:$0x2];
	[bflag:$0x3] =	sbarrier.arrive $0xFFFF;
	s2 =	simm.s32 @!p0 $0x1C05  }
0x287: {  	[timem:s3], [sflag:s2] =	dma.local @!p0 [hbm:s0], s1  }
0x288: {  	s0 =	simm.s32 @!p0 $0x5  }
0x289: {  	_ =	swait.ge @!p0 [sflag:s0], s1  }
0x28a: {  	s1 =	ssub.s32 @!p0 $0x0, s1;
	[sflag:s0] =	ssyncset.done @!p0 $0x0  }
0x28b: {  	[sflag:s0] =	ssyncadd.s32 @!p0 s1  }
0x28c: {  	[bflag:$0x3] =	sbarrier.arrive $0xFFFF  }
0x28d: {  	_ =	shalt  }

</sc_bundles>
